<compile_context>
chip_gen: v7x
topology: tpu7x:2x2x1
jax: 0.10.2.dev20260603
libtpu: 0.0.44.dev20260713+nightly
codegen_flags: <defaults>
</compile_context>

<pallas_src>
import functools

import jax
import jax.numpy as jnp
from jax import lax
from jax.experimental import pallas as pl
from jax.experimental.pallas import tpu as pltpu
from jax.experimental.pallas import tpu_sc as plsc

_N = 10000
_E = 320000
_DN = 128
_DE = 16
_DS = 64
_DH = 128

_BN = 2000
_BE = 3200

_NSC = 2
_NSUB = 16
_NW = _NSC * _NSUB
_EPW = _E // _NW
_GC = 80
_GCH = _EPW // _GC


def _gather_body(p_hbm, q_hbm, src_hbm, dst_hbm, g_hbm,
                 si0, di0, pr0, qr0, sem0):
    wid = lax.axis_index("s") * _NSC + lax.axis_index("c")
    e0 = wid * _EPW

    def addwrite(pr, qr, base):
        def addrow(r, cr):
            for cc in range(_DH // 16):
                s = pl.ds(cc * 16, 16)
                pr[r, s] = pr[r, s] + qr[r, s]
            return cr

        lax.fori_loop(0, _GC, addrow, 0)
        pltpu.sync_copy(pr, g_hbm.at[pl.ds(base, _GC)])

    def chunk(k, carry):
        base = e0 + k * _GC
        pltpu.sync_copy(src_hbm.at[pl.ds(base, _GC)], si0)
        pltpu.sync_copy(dst_hbm.at[pl.ds(base, _GC)], di0)
        c1 = pltpu.async_copy(p_hbm.at[si0], pr0, sem0)
        c2 = pltpu.async_copy(q_hbm.at[di0], qr0, sem0)
        c1.wait()
        c2.wait()
        addwrite(pr0, qr0, base)
        return carry

    lax.fori_loop(0, _GCH, chunk, 0)


_NP = 10240
_NHALF = _NP // _NSC
_NTAB = _NHALF + 8
_NPT = _NHALF // _NSUB
_EPT = _E // _NSUB
_SCH = _EPT // _GC


def _remap(di, lo):
    lov = jnp.full((16,), 1, jnp.int32) * lo
    dump = jnp.full((16,), _NHALF, jnp.int32)
    for v in range(_GC // 16):
        s = pl.ds(v * 16, 16)
        rel = di[s] - lov
        ok = (rel >= 0) & (rel < _NHALF)
        di[s] = jnp.where(ok, rel, dump)


def _esum_body(mij_hbm, dst_hbm, deg_dep, esum_out, di, rows, zb, esum_s):
    cid = lax.axis_index("c")
    sid = lax.axis_index("s")
    lo = cid * _NHALF
    r0 = pl.multiple_of(sid * _NPT, 8)

    def fill_z(j, c):
        for cc in range(_DH // 16):
            zb[j, pl.ds(cc * 16, 16)] = jnp.zeros((16,), jnp.float32)
        return c

    lax.fori_loop(0, _NPT, fill_z, 0)
    pltpu.sync_copy(zb, esum_s.at[pl.ds(r0, _NPT)])
    plsc.subcore_barrier()

    def chunk(k, carry):
        base = sid * _EPT + k * _GC
        pltpu.sync_copy(dst_hbm.at[pl.ds(base, _GC)], di)
        pltpu.sync_copy(mij_hbm.at[pl.ds(base, _GC)], rows)
        _remap(di, lo)
        pltpu.sync_copy(rows, esum_s.at[di], add=True)
        return carry

    lax.fori_loop(0, _SCH, chunk, 0)
    plsc.subcore_barrier()

    out0 = pl.multiple_of(lo + sid * _NPT, 8)
    pltpu.sync_copy(esum_s.at[pl.ds(r0, _NPT)], esum_out.at[pl.ds(out0, _NPT)])


def _deg_body(dst_hbm, g_dep, deg_out, di, ones_v, zb16, deg_s):
    cid = lax.axis_index("c")
    sid = lax.axis_index("s")
    lo = cid * _NHALF
    r0 = pl.multiple_of(sid * _NPT, 8)

    def fill(j, c):
        ones_v[j] = jnp.full((16,), 1.0, jnp.float32)
        return c

    lax.fori_loop(0, _GC, fill, 0)

    def fill16(j, c):
        zb16[j] = jnp.zeros((16,), jnp.float32)
        return c

    lax.fori_loop(0, _NPT, fill16, 0)
    pltpu.sync_copy(zb16, deg_s.at[pl.ds(r0, _NPT)])
    plsc.subcore_barrier()

    def chunk(k, carry):
        base = sid * _EPT + k * _GC
        pltpu.sync_copy(dst_hbm.at[pl.ds(base, _GC)], di)
        _remap(di, lo)
        pltpu.sync_copy(ones_v, deg_s.at[di], add=True)
        return carry

    lax.fori_loop(0, _SCH, chunk, 0)
    plsc.subcore_barrier()

    out0 = pl.multiple_of(lo + sid * _NPT, 8)
    pltpu.sync_copy(deg_s.at[pl.ds(r0, _NPT)], deg_out.at[pl.ds(out0, _NPT)])


def _pq_body(nf, wa, wb, p_out, q_out):
    x = nf[...]
    p_out[...] = jnp.dot(x, wa[...], preferred_element_type=jnp.float32)
    q_out[...] = jnp.dot(x, wb[...], preferred_element_type=jnp.float32)


def _edge_body(g, ef, st, wu, we, eb1, ew2, eb2, mij, uesum, acc):
    i = pl.program_id(0)
    ce = jnp.dot(st[...], wu[...], preferred_element_type=jnp.float32) + eb1[...]
    h1 = jnp.maximum(
        g[...] + jnp.dot(ef[...], we[...], preferred_element_type=jnp.float32) + ce,
        0.0)
    m = jnp.maximum(
        jnp.dot(h1, ew2[...], preferred_element_type=jnp.float32) + eb2[...], 0.0)
    mij[...] = m

    @pl.when(i == 0)
    def _():
        acc[...] = jnp.zeros_like(acc)

    acc[...] += jnp.sum(m, axis=0, keepdims=True)

    @pl.when(i == pl.num_programs(0) - 1)
    def _():
        uesum[...] = acc[...]


def _node_body(nf, esum, deg, st, a_nf, a_ve, wun, nb1, nw2, nb2, uesum,
               sA, sB, sC, sb1, sw2, sb2, vnew, snew, accv):
    i = pl.program_id(0)
    es = esum[...]
    dg = deg[...][:, 0:1]
    ve = es / jnp.maximum(dg, 1.0)
    cn = jnp.dot(st[...], wun[...], preferred_element_type=jnp.float32) + nb1[...]
    h = jnp.maximum(
        jnp.dot(nf[...], a_nf[...], preferred_element_type=jnp.float32)
        + jnp.dot(ve, a_ve[...], preferred_element_type=jnp.float32) + cn, 0.0)
    v = jnp.maximum(
        jnp.dot(h, nw2[...], preferred_element_type=jnp.float32) + nb2[...], 0.0)
    vnew[...] = v

    @pl.when(i == 0)
    def _():
        accv[...] = jnp.zeros_like(accv)

    accv[...] += jnp.sum(v, axis=0, keepdims=True)

    @pl.when(i == pl.num_programs(0) - 1)
    def _():
        u_edge = uesum[...] * (1.0 / _E)
        u_vertex = accv[...] * (1.0 / _N)
        s1 = jnp.maximum(
            jnp.dot(st[...], sA[...], preferred_element_type=jnp.float32)
            + jnp.dot(u_edge, sB[...], preferred_element_type=jnp.float32)
            + jnp.dot(u_vertex, sC[...], preferred_element_type=jnp.float32)
            + sb1[...], 0.0)
        snew[...] = jnp.maximum(
            jnp.dot(s1, sw2[...], preferred_element_type=jnp.float32) + sb2[...],
            0.0)


def _full(shape):
    return pl.BlockSpec(shape, lambda *_: tuple(0 for _ in shape))


def kernel(node_feat, edge_feat, state_attr,
           eW1, eb1, eW2, eb2,
           nW1, nb1, nW2, nb2,
           sW1, sb1, sW2, sb2,
           edge_index):
    src = edge_index[0]
    dst = edge_index[1]
    f32 = jnp.float32

    Wvi = eW1[0:_DN]
    Wvj = eW1[_DN:2 * _DN]
    We = eW1[2 * _DN:2 * _DN + _DE]
    Wu = eW1[2 * _DN + _DE:]
    P, Q = pl.pallas_call(
        _pq_body,
        grid=(_N // _BN,),
        in_specs=[
            pl.BlockSpec((_BN, _DN), lambda i: (i, 0)),
            _full((_DN, _DH)),
            _full((_DN, _DH)),
        ],
        out_specs=[
            pl.BlockSpec((_BN, _DH), lambda i: (i, 0)),
            pl.BlockSpec((_BN, _DH), lambda i: (i, 0)),
        ],
        out_shape=[
            jax.ShapeDtypeStruct((_N, _DH), f32),
            jax.ShapeDtypeStruct((_N, _DH), f32),
        ],
    )(node_feat, Wvi, Wvj)

    G = pl.kernel(
        _gather_body,
        out_type=jax.ShapeDtypeStruct((_E, _DH), f32),
        mesh=plsc.VectorSubcoreMesh(core_axis_name="c", subcore_axis_name="s"),
        scratch_types=[
            pltpu.VMEM((_GC,), jnp.int32),
            pltpu.VMEM((_GC,), jnp.int32),
            pltpu.VMEM((_GC, _DH), f32),
            pltpu.VMEM((_GC, _DH), f32),
            pltpu.SemaphoreType.DMA,
        ],
    )(P, Q, src, dst)

    mij, uesum = pl.pallas_call(
        _edge_body,
        grid=(_E // _BE,),
        in_specs=[
            pl.BlockSpec((_BE, _DH), lambda i: (i, 0)),
            pl.BlockSpec((_BE, _DE), lambda i: (i, 0)),
            _full((1, _DS)),
            _full((_DS, _DH)),
            _full((_DE, _DH)),
            _full((1, _DH)),
            _full((_DH, _DH)),
            _full((1, _DH)),
        ],
        out_specs=[
            pl.BlockSpec((_BE, _DH), lambda i: (i, 0)),
            _full((1, _DH)),
        ],
        out_shape=[
            jax.ShapeDtypeStruct((_E, _DH), f32),
            jax.ShapeDtypeStruct((1, _DH), f32),
        ],
        scratch_shapes=[pltpu.VMEM((1, _DH), f32)],
    )(G, edge_feat, state_attr, Wu, We, eb1.reshape(1, _DH), eW2,
      eb2.reshape(1, _DH))

    esum = jax.ops.segment_sum(mij, dst, num_segments=_N)
    deg = jnp.broadcast_to(
        jax.ops.segment_sum(jnp.ones((_E,), f32), dst, num_segments=_N)[:, None],
        (_N, 16))

    v_new, snew = pl.pallas_call(
        _node_body,
        grid=(_N // _BN,),
        in_specs=[
            pl.BlockSpec((_BN, _DN), lambda i: (i, 0)),
            pl.BlockSpec((_BN, _DH), lambda i: (i, 0)),
            pl.BlockSpec((_BN, 16), lambda i: (i, 0)),
            _full((1, _DS)),
            _full((_DN, _DH)),
            _full((_DH, _DH)),
            _full((_DS, _DH)),
            _full((1, _DH)),
            _full((_DH, _DH)),
            _full((1, _DH)),
            _full((1, _DH)),
            _full((_DS, _DH)),
            _full((_DH, _DH)),
            _full((_DH, _DH)),
            _full((1, _DH)),
            _full((_DH, _DS)),
            _full((1, _DS)),
        ],
        out_specs=[
            pl.BlockSpec((_BN, _DH), lambda i: (i, 0)),
            _full((1, _DS)),
        ],
        out_shape=[
            jax.ShapeDtypeStruct((_N, _DH), f32),
            jax.ShapeDtypeStruct((1, _DS), f32),
        ],
        scratch_shapes=[pltpu.VMEM((1, _DH), f32)],
    )(node_feat, esum, deg, state_attr,
      nW1[0:_DN], nW1[_DN:2 * _DN], nW1[2 * _DN:], nb1.reshape(1, _DH),
      nW2, nb2.reshape(1, _DH), uesum,
      sW1[0:_DS], sW1[_DS:_DS + _DH], sW1[_DS + _DH:], sb1.reshape(1, _DH),
      sW2, sb2.reshape(1, _DS))

    return (mij, v_new, snew.reshape(_DS))

# --- scband reference (transcript-rebuilt; emitter-appended) ---
"""Pipeline reference for scband-megnet-graph-conv-13752485282408 (READ-ONLY COPY).

The authoritative reference and input builder live on the scoring server;
editing this copy changes nothing except your own understanding.
"""

import jax, jax.numpy as jnp
import numpy as np

N = 10000
E = 320000
DN = 128
DE = 16
DS = 64
DH = 128


def _mlp(x, params):
    # MLP with activate_last=True: activation after every linear layer
    for W, b in params:
        x = jax.nn.relu(x @ W + b)
    return x


def _init_linear(key, din, dout):
    kW, kb = jax.random.split(key)
    s = 1.0 / np.sqrt(din)
    W = jax.random.uniform(kW, (din, dout), minval=-s, maxval=s, dtype=jnp.float32)
    b = jax.random.uniform(kb, (dout,), minval=-s, maxval=s, dtype=jnp.float32)
    return W, b


def setup_inputs(seed: int = 0) -> dict:
    key = jax.random.key(seed)
    ks = jax.random.split(key, 10)
    node_feat = jax.random.normal(ks[0], (N, DN), dtype=jnp.float32)
    edge_feat = jax.random.normal(ks[1], (E, DE), dtype=jnp.float32)
    state_attr = jax.random.normal(ks[2], (1, DS), dtype=jnp.float32)
    edge_index = jax.random.randint(ks[3], (2, E), 0, N, dtype=jnp.int32)
    eW1, eb1 = _init_linear(ks[4], 2 * DN + DE + DS, DH)
    eW2, eb2 = _init_linear(ks[5], DH, DH)
    nW1, nb1 = _init_linear(ks[6], DN + DH + DS, DH)
    nW2, nb2 = _init_linear(ks[7], DH, DH)
    sW1, sb1 = _init_linear(ks[8], DS + DH + DH, DH)
    sW2, sb2 = _init_linear(ks[9], DH, DS)
    return dict(node_feat=node_feat, edge_feat=edge_feat, state_attr=state_attr,
                eW1=eW1, eb1=eb1, eW2=eW2, eb2=eb2,
                nW1=nW1, nb1=nb1, nW2=nW2, nb2=nb2,
                sW1=sW1, sb1=sb1, sW2=sW2, sb2=sb2,
                edge_index=edge_index)


def reference(node_feat, edge_feat, state_attr,
              eW1, eb1, eW2, eb2,
              nW1, nb1, nW2, nb2,
              sW1, sb1, sW2, sb2,
              edge_index):
    src = edge_index[0]
    dst = edge_index[1]
    # broadcast_nodes: global state replicated to every node
    u_nodes = jnp.broadcast_to(state_attr, (N, DS))
    # edge update: hstack([vi, vj, eij, u]) -> edge MLP
    vi = node_feat[src]
    vj = node_feat[dst]
    ue = u_nodes[src]
    e_in = jnp.concatenate([vi, vj, edge_feat, ue], axis=1)
    mij = _mlp(e_in, [(eW1, eb1), (eW2, eb2)])
    # node update: mean of incoming edge messages per dst node
    esum = jax.ops.segment_sum(mij, dst, num_segments=N)
    deg = jax.ops.segment_sum(jnp.ones((E,), dtype=jnp.float32), dst, num_segments=N)
    ve = esum / jnp.maximum(deg, 1.0)[:, None]
    n_in = jnp.concatenate([node_feat, ve, u_nodes], axis=1)
    v_new = _mlp(n_in, [(nW1, nb1), (nW2, nb2)])
    # state update: graph-level mean readouts of edges and nodes
    u_edge = jnp.mean(mij, axis=0)
    u_vertex = jnp.mean(v_new, axis=0)
    s_in = jnp.concatenate([jnp.squeeze(state_attr), u_edge, u_vertex])
    s_new = _mlp(s_in, [(sW1, sb1), (sW2, sb2)])
    return (mij, v_new, s_new)

if __name__ == "__main__":
    import jax
    _d = setup_inputs()
    print(jax.jit(kernel)(*tuple(_d.values())))

</pallas_src>

<mosaic_0001>
#map = affine_map<(d0, d1) -> (0, 0)>
#map1 = affine_map<(d0, d1) -> (0)>
module attributes {stable_mosaic.version = 14 : i64} {
  func.func @_gather_body(%arg0: i32, %arg1: i32, %arg2: memref<10000x128xf32, #tpu.memory_space<hbm>>, %arg3: memref<10000x128xf32, #tpu.memory_space<hbm>>, %arg4: memref<320000xi32, #tpu.memory_space<hbm>>, %arg5: memref<320000xi32, #tpu.memory_space<hbm>>, %arg6: memref<320000x128xf32, #tpu.memory_space<hbm>>, %arg7: memref<80xi32, #tpu.memory_space<vmem>>, %arg8: memref<80xi32, #tpu.memory_space<vmem>>, %arg9: memref<80x128xf32, #tpu.memory_space<vmem>>, %arg10: memref<80x128xf32, #tpu.memory_space<vmem>>, %arg11: memref<!tpu.dma_semaphore, #tpu.memory_space<semaphore_mem>>) attributes {dimension_semantics = [#tpu.dimension_semantics<core_parallel>, #tpu.dimension_semantics<subcore_parallel>], iteration_bounds = array<i64: 2, 16>, scalar_prefetch = 0 : i64, scratch_operands = 5 : i64, tpu.core_type = #tpu.core_type<sc_vector_subcore>, window_params = [{transform_indices = #map}, {transform_indices = #map}, {transform_indices = #map1}, {transform_indices = #map1}, {transform_indices = #map}]} {
    %mul3A = arith.constant 2 : i32
    %mul3A_0 = arith.muli %arg1, %mul3A : i32
    %add3A = arith.addi %mul3A_0, %arg0 : i32
    %mul3A_1 = arith.constant 10000 : i32
    %mul3A_2 = arith.muli %add3A, %mul3A_1 : i32
    %scan3A = arith.constant 0 : i32
    %scan3A_3 = arith.constant 0 : i32
    %scan3A_4 = arith.constant 125 : i32
    %scan3A_5 = arith.addi %scan3A_3, %scan3A_4 : i32
    %scan3A_6 = arith.constant 1 : i32
    scf.for %scan3A_8 = %scan3A_3 to %scan3A_5 step %scan3A_6  : i32 {
      %mul3A_9 = arith.constant 80 : i32
      %mul3A_10 = arith.muli %scan3A_8, %mul3A_9 : i32
      %add3A_11 = arith.addi %mul3A_2, %mul3A_10 : i32
      "tpu.region"() ({
        %run_scoped3A = tpu.sem_alloc : memref<!tpu.dma_semaphore, #tpu.memory_space<semaphore_mem>>
        %dma_start3A_28 = tpu.memref_slice %arg4[%add3A_11] : memref<320000xi32, #tpu.memory_space<hbm>> -> memref<80xi32, #tpu.memory_space<hbm>>
        %dma_start3A_29 = tpu.memref_slice %arg4[%add3A_11] : memref<320000xi32, #tpu.memory_space<hbm>> -> memref<80xi32, #tpu.memory_space<hbm>>
        tpu.enqueue_dma source(%dma_start3A_29 : memref<80xi32, #tpu.memory_space<hbm>>) target(%arg7 : memref<80xi32, #tpu.memory_space<vmem>>) target_semaphore(%run_scoped3A : memref<!tpu.dma_semaphore, #tpu.memory_space<semaphore_mem>>)
        %dma_wait3A_30 = tpu.memref_slice %arg4[%add3A_11] : memref<320000xi32, #tpu.memory_space<hbm>> -> memref<80xi32, #tpu.memory_space<hbm>>
        %dma_wait3A_31 = tpu.memref_slice %arg4[%add3A_11] : memref<320000xi32, #tpu.memory_space<hbm>> -> memref<80xi32, #tpu.memory_space<hbm>>
        tpu.wait_dma2 semaphore(%run_scoped3A : memref<!tpu.dma_semaphore, #tpu.memory_space<semaphore_mem>>) src(%dma_wait3A_31 : memref<80xi32, #tpu.memory_space<hbm>>) dst(%arg7 : memref<80xi32, #tpu.memory_space<vmem>>)
        tpu.yield
      }) : () -> ()
      "tpu.region"() ({
        %run_scoped3A = tpu.sem_alloc : memref<!tpu.dma_semaphore, #tpu.memory_space<semaphore_mem>>
        %dma_start3A_28 = tpu.memref_slice %arg5[%add3A_11] : memref<320000xi32, #tpu.memory_space<hbm>> -> memref<80xi32, #tpu.memory_space<hbm>>
        %dma_start3A_29 = tpu.memref_slice %arg5[%add3A_11] : memref<320000xi32, #tpu.memory_space<hbm>> -> memref<80xi32, #tpu.memory_space<hbm>>
        tpu.enqueue_dma source(%dma_start3A_29 : memref<80xi32, #tpu.memory_space<hbm>>) target(%arg8 : memref<80xi32, #tpu.memory_space<vmem>>) target_semaphore(%run_scoped3A : memref<!tpu.dma_semaphore, #tpu.memory_space<semaphore_mem>>)
        %dma_wait3A_30 = tpu.memref_slice %arg5[%add3A_11] : memref<320000xi32, #tpu.memory_space<hbm>> -> memref<80xi32, #tpu.memory_space<hbm>>
        %dma_wait3A_31 = tpu.memref_slice %arg5[%add3A_11] : memref<320000xi32, #tpu.memory_space<hbm>> -> memref<80xi32, #tpu.memory_space<hbm>>
        tpu.wait_dma2 semaphore(%run_scoped3A : memref<!tpu.dma_semaphore, #tpu.memory_space<semaphore_mem>>) src(%dma_wait3A_31 : memref<80xi32, #tpu.memory_space<hbm>>) dst(%arg8 : memref<80xi32, #tpu.memory_space<vmem>>)
        tpu.yield
      }) : () -> ()
      %dma_start3A = arith.constant 0 : i32
      %dma_start3A_12 = arith.constant 0 : i32
      %dma_start3A_13 = tpu.memref_slice %arg2[%dma_start3A, %dma_start3A_12] : memref<10000x128xf32, #tpu.memory_space<hbm>> -> memref<10000x128xf32, #tpu.memory_space<hbm>>
      tpu.enqueue_indirect_dma source(%dma_start3A_13 : memref<10000x128xf32, #tpu.memory_space<hbm>>) target(%arg9 : memref<80x128xf32, #tpu.memory_space<vmem>>) offsets(%arg7 : memref<80xi32, #tpu.memory_space<vmem>>) semaphore(%arg11 : memref<!tpu.dma_semaphore, #tpu.memory_space<semaphore_mem>>)
      %dma_start3A_14 = arith.constant 0 : i32
      %dma_start3A_15 = arith.constant 0 : i32
      %dma_start3A_16 = tpu.memref_slice %arg3[%dma_start3A_14, %dma_start3A_15] : memref<10000x128xf32, #tpu.memory_space<hbm>> -> memref<10000x128xf32, #tpu.memory_space<hbm>>
      tpu.enqueue_indirect_dma source(%dma_start3A_16 : memref<10000x128xf32, #tpu.memory_space<hbm>>) target(%arg10 : memref<80x128xf32, #tpu.memory_space<vmem>>) offsets(%arg8 : memref<80xi32, #tpu.memory_space<vmem>>) semaphore(%arg11 : memref<!tpu.dma_semaphore, #tpu.memory_space<semaphore_mem>>)
      %dma_wait3A = arith.constant 0 : i32
      %dma_wait3A_17 = arith.constant 0 : i32
      %dma_wait3A_18 = tpu.memref_slice %arg2[%dma_wait3A, %dma_wait3A_17] : memref<10000x128xf32, #tpu.memory_space<hbm>> -> memref<10000x128xf32, #tpu.memory_space<hbm>>
      tpu.wait_indirect_dma semaphore(%arg11 : memref<!tpu.dma_semaphore, #tpu.memory_space<semaphore_mem>>) src(%dma_wait3A_18 : memref<10000x128xf32, #tpu.memory_space<hbm>>) dst(%arg9 : memref<80x128xf32, #tpu.memory_space<vmem>>)
      %dma_wait3A_19 = arith.constant 0 : i32
      %dma_wait3A_20 = arith.constant 0 : i32
      %dma_wait3A_21 = tpu.memref_slice %arg3[%dma_wait3A_19, %dma_wait3A_20] : memref<10000x128xf32, #tpu.memory_space<hbm>> -> memref<10000x128xf32, #tpu.memory_space<hbm>>
      tpu.wait_indirect_dma semaphore(%arg11 : memref<!tpu.dma_semaphore, #tpu.memory_space<semaphore_mem>>) src(%dma_wait3A_21 : memref<10000x128xf32, #tpu.memory_space<hbm>>) dst(%arg10 : memref<80x128xf32, #tpu.memory_space<vmem>>)
      %scan3A_22 = arith.constant 0 : i32
      %scan3A_23 = arith.constant 0 : i32
      %scan3A_24 = arith.constant 80 : i32
      %scan3A_25 = arith.addi %scan3A_23, %scan3A_24 : i32
      %scan3A_26 = arith.constant 1 : i32
      scf.for %scan3A_28 = %scan3A_23 to %scan3A_25 step %scan3A_26  : i32 {
        %get3A = arith.index_cast %scan3A_28 : i32 to index
        %get3A_29 = arith.constant 0 : index
        %get3A_30 = tpu.vector_load %arg9[%get3A, %get3A_29] {strides = array<i32>} : memref<80x128xf32, #tpu.memory_space<vmem>>, vector<1x16xf32>,
        %get3A_31 = vector.shape_cast %get3A_30 : vector<1x16xf32> to vector<16xf32>
        %get3A_32 = arith.index_cast %scan3A_28 : i32 to index
        %get3A_33 = arith.constant 0 : index
        %get3A_34 = tpu.vector_load %arg10[%get3A_32, %get3A_33] {strides = array<i32>} : memref<80x128xf32, #tpu.memory_space<vmem>>, vector<1x16xf32>,
        %get3A_35 = vector.shape_cast %get3A_34 : vector<1x16xf32> to vector<16xf32>
        %add3A_36 = arith.addf %get3A_31, %get3A_35 : vector<16xf32>
        %swap3A = arith.index_cast %scan3A_28 : i32 to index
        %swap3A_37 = arith.constant 0 : index
        %swap3A_38 = tpu.vector_load %arg9[%swap3A, %swap3A_37] {strides = array<i32>} : memref<80x128xf32, #tpu.memory_space<vmem>>, vector<1x16xf32>,
        %swap3A_39 = vector.shape_cast %swap3A_38 : vector<1x16xf32> to vector<16xf32>
        %swap3A_40 = vector.shape_cast %add3A_36 : vector<16xf32> to vector<1x16xf32>
        tpu.vector_store %arg9[%swap3A, %swap3A_37], %swap3A_40 {strides = array<i32>} : memref<80x128xf32, #tpu.memory_space<vmem>>, vector<1x16xf32>,
        %get3A_41 = arith.index_cast %scan3A_28 : i32 to index
        %get3A_42 = arith.constant 16 : index
        %get3A_43 = tpu.vector_load %arg9[%get3A_41, %get3A_42] {strides = array<i32>} : memref<80x128xf32, #tpu.memory_space<vmem>>, vector<1x16xf32>,
        %get3A_44 = vector.shape_cast %get3A_43 : vector<1x16xf32> to vector<16xf32>
        %get3A_45 = arith.index_cast %scan3A_28 : i32 to index
        %get3A_46 = arith.constant 16 : index
        %get3A_47 = tpu.vector_load %arg10[%get3A_45, %get3A_46] {strides = array<i32>} : memref<80x128xf32, #tpu.memory_space<vmem>>, vector<1x16xf32>,
        %get3A_48 = vector.shape_cast %get3A_47 : vector<1x16xf32> to vector<16xf32>
        %add3A_49 = arith.addf %get3A_44, %get3A_48 : vector<16xf32>
        %swap3A_50 = arith.index_cast %scan3A_28 : i32 to index
        %swap3A_51 = arith.constant 16 : index
        %swap3A_52 = tpu.vector_load %arg9[%swap3A_50, %swap3A_51] {strides = array<i32>} : memref<80x128xf32, #tpu.memory_space<vmem>>, vector<1x16xf32>,
        %swap3A_53 = vector.shape_cast %swap3A_52 : vector<1x16xf32> to vector<16xf32>
        %swap3A_54 = vector.shape_cast %add3A_49 : vector<16xf32> to vector<1x16xf32>
        tpu.vector_store %arg9[%swap3A_50, %swap3A_51], %swap3A_54 {strides = array<i32>} : memref<80x128xf32, #tpu.memory_space<vmem>>, vector<1x16xf32>,
        %get3A_55 = arith.index_cast %scan3A_28 : i32 to index
        %get3A_56 = arith.constant 32 : index
        %get3A_57 = tpu.vector_load %arg9[%get3A_55, %get3A_56] {strides = array<i32>} : memref<80x128xf32, #tpu.memory_space<vmem>>, vector<1x16xf32>,
        %get3A_58 = vector.shape_cast %get3A_57 : vector<1x16xf32> to vector<16xf32>
        %get3A_59 = arith.index_cast %scan3A_28 : i32 to index
        %get3A_60 = arith.constant 32 : index
        %get3A_61 = tpu.vector_load %arg10[%get3A_59, %get3A_60] {strides = array<i32>} : memref<80x128xf32, #tpu.memory_space<vmem>>, vector<1x16xf32>,
        %get3A_62 = vector.shape_cast %get3A_61 : vector<1x16xf32> to vector<16xf32>
        %add3A_63 = arith.addf %get3A_58, %get3A_62 : vector<16xf32>
        %swap3A_64 = arith.index_cast %scan3A_28 : i32 to index
        %swap3A_65 = arith.constant 32 : index
        %swap3A_66 = tpu.vector_load %arg9[%swap3A_64, %swap3A_65] {strides = array<i32>} : memref<80x128xf32, #tpu.memory_space<vmem>>, vector<1x16xf32>,
        %swap3A_67 = vector.shape_cast %swap3A_66 : vector<1x16xf32> to vector<16xf32>
        %swap3A_68 = vector.shape_cast %add3A_63 : vector<16xf32> to vector<1x16xf32>
        tpu.vector_store %arg9[%swap3A_64, %swap3A_65], %swap3A_68 {strides = array<i32>} : memref<80x128xf32, #tpu.memory_space<vmem>>, vector<1x16xf32>,
        %get3A_69 = arith.index_cast %scan3A_28 : i32 to index
        %get3A_70 = arith.constant 48 : index
        %get3A_71 = tpu.vector_load %arg9[%get3A_69, %get3A_70] {strides = array<i32>} : memref<80x128xf32, #tpu.memory_space<vmem>>, vector<1x16xf32>,
        %get3A_72 = vector.shape_cast %get3A_71 : vector<1x16xf32> to vector<16xf32>
        %get3A_73 = arith.index_cast %scan3A_28 : i32 to index
        %get3A_74 = arith.constant 48 : index
        %get3A_75 = tpu.vector_load %arg10[%get3A_73, %get3A_74] {strides = array<i32>} : memref<80x128xf32, #tpu.memory_space<vmem>>, vector<1x16xf32>,
        %get3A_76 = vector.shape_cast %get3A_75 : vector<1x16xf32> to vector<16xf32>
        %add3A_77 = arith.addf %get3A_72, %get3A_76 : vector<16xf32>
        %swap3A_78 = arith.index_cast %scan3A_28 : i32 to index
        %swap3A_79 = arith.constant 48 : index
        %swap3A_80 = tpu.vector_load %arg9[%swap3A_78, %swap3A_79] {strides = array<i32>} : memref<80x128xf32, #tpu.memory_space<vmem>>, vector<1x16xf32>,
        %swap3A_81 = vector.shape_cast %swap3A_80 : vector<1x16xf32> to vector<16xf32>
        %swap3A_82 = vector.shape_cast %add3A_77 : vector<16xf32> to vector<1x16xf32>
        tpu.vector_store %arg9[%swap3A_78, %swap3A_79], %swap3A_82 {strides = array<i32>} : memref<80x128xf32, #tpu.memory_space<vmem>>, vector<1x16xf32>,
        %get3A_83 = arith.index_cast %scan3A_28 : i32 to index
        %get3A_84 = arith.constant 64 : index
        %get3A_85 = tpu.vector_load %arg9[%get3A_83, %get3A_84] {strides = array<i32>} : memref<80x128xf32, #tpu.memory_space<vmem>>, vector<1x16xf32>,
        %get3A_86 = vector.shape_cast %get3A_85 : vector<1x16xf32> to vector<16xf32>
        %get3A_87 = arith.index_cast %scan3A_28 : i32 to index
        %get3A_88 = arith.constant 64 : index
        %get3A_89 = tpu.vector_load %arg10[%get3A_87, %get3A_88] {strides = array<i32>} : memref<80x128xf32, #tpu.memory_space<vmem>>, vector<1x16xf32>,
        %get3A_90 = vector.shape_cast %get3A_89 : vector<1x16xf32> to vector<16xf32>
        %add3A_91 = arith.addf %get3A_86, %get3A_90 : vector<16xf32>
        %swap3A_92 = arith.index_cast %scan3A_28 : i32 to index
        %swap3A_93 = arith.constant 64 : index
        %swap3A_94 = tpu.vector_load %arg9[%swap3A_92, %swap3A_93] {strides = array<i32>} : memref<80x128xf32, #tpu.memory_space<vmem>>, vector<1x16xf32>,
        %swap3A_95 = vector.shape_cast %swap3A_94 : vector<1x16xf32> to vector<16xf32>
        %swap3A_96 = vector.shape_cast %add3A_91 : vector<16xf32> to vector<1x16xf32>
        tpu.vector_store %arg9[%swap3A_92, %swap3A_93], %swap3A_96 {strides = array<i32>} : memref<80x128xf32, #tpu.memory_space<vmem>>, vector<1x16xf32>,
        %get3A_97 = arith.index_cast %scan3A_28 : i32 to index
        %get3A_98 = arith.constant 80 : index
        %get3A_99 = tpu.vector_load %arg9[%get3A_97, %get3A_98] {strides = array<i32>} : memref<80x128xf32, #tpu.memory_space<vmem>>, vector<1x16xf32>,
        %get3A_100 = vector.shape_cast %get3A_99 : vector<1x16xf32> to vector<16xf32>
        %get3A_101 = arith.index_cast %scan3A_28 : i32 to index
        %get3A_102 = arith.constant 80 : index
        %get3A_103 = tpu.vector_load %arg10[%get3A_101, %get3A_102] {strides = array<i32>} : memref<80x128xf32, #tpu.memory_space<vmem>>, vector<1x16xf32>,
        %get3A_104 = vector.shape_cast %get3A_103 : vector<1x16xf32> to vector<16xf32>
        %add3A_105 = arith.addf %get3A_100, %get3A_104 : vector<16xf32>
        %swap3A_106 = arith.index_cast %scan3A_28 : i32 to index
        %swap3A_107 = arith.constant 80 : index
        %swap3A_108 = tpu.vector_load %arg9[%swap3A_106, %swap3A_107] {strides = array<i32>} : memref<80x128xf32, #tpu.memory_space<vmem>>, vector<1x16xf32>,
        %swap3A_109 = vector.shape_cast %swap3A_108 : vector<1x16xf32> to vector<16xf32>
        %swap3A_110 = vector.shape_cast %add3A_105 : vector<16xf32> to vector<1x16xf32>
        tpu.vector_store %arg9[%swap3A_106, %swap3A_107], %swap3A_110 {strides = array<i32>} : memref<80x128xf32, #tpu.memory_space<vmem>>, vector<1x16xf32>,
        %get3A_111 = arith.index_cast %scan3A_28 : i32 to index
        %get3A_112 = arith.constant 96 : index
        %get3A_113 = tpu.vector_load %arg9[%get3A_111, %get3A_112] {strides = array<i32>} : memref<80x128xf32, #tpu.memory_space<vmem>>, vector<1x16xf32>,
        %get3A_114 = vector.shape_cast %get3A_113 : vector<1x16xf32> to vector<16xf32>
        %get3A_115 = arith.index_cast %scan3A_28 : i32 to index
        %get3A_116 = arith.constant 96 : index
        %get3A_117 = tpu.vector_load %arg10[%get3A_115, %get3A_116] {strides = array<i32>} : memref<80x128xf32, #tpu.memory_space<vmem>>, vector<1x16xf32>,
        %get3A_118 = vector.shape_cast %get3A_117 : vector<1x16xf32> to vector<16xf32>
        %add3A_119 = arith.addf %get3A_114, %get3A_118 : vector<16xf32>
        %swap3A_120 = arith.index_cast %scan3A_28 : i32 to index
        %swap3A_121 = arith.constant 96 : index
        %swap3A_122 = tpu.vector_load %arg9[%swap3A_120, %swap3A_121] {strides = array<i32>} : memref<80x128xf32, #tpu.memory_space<vmem>>, vector<1x16xf32>,
        %swap3A_123 = vector.shape_cast %swap3A_122 : vector<1x16xf32> to vector<16xf32>
        %swap3A_124 = vector.shape_cast %add3A_119 : vector<16xf32> to vector<1x16xf32>
        tpu.vector_store %arg9[%swap3A_120, %swap3A_121], %swap3A_124 {strides = array<i32>} : memref<80x128xf32, #tpu.memory_space<vmem>>, vector<1x16xf32>,
        %get3A_125 = arith.index_cast %scan3A_28 : i32 to index
        %get3A_126 = arith.constant 112 : index
        %get3A_127 = tpu.vector_load %arg9[%get3A_125, %get3A_126] {strides = array<i32>} : memref<80x128xf32, #tpu.memory_space<vmem>>, vector<1x16xf32>,
        %get3A_128 = vector.shape_cast %get3A_127 : vector<1x16xf32> to vector<16xf32>
        %get3A_129 = arith.index_cast %scan3A_28 : i32 to index
        %get3A_130 = arith.constant 112 : index
        %get3A_131 = tpu.vector_load %arg10[%get3A_129, %get3A_130] {strides = array<i32>} : memref<80x128xf32, #tpu.memory_space<vmem>>, vector<1x16xf32>,
        %get3A_132 = vector.shape_cast %get3A_131 : vector<1x16xf32> to vector<16xf32>
        %add3A_133 = arith.addf %get3A_128, %get3A_132 : vector<16xf32>
        %swap3A_134 = arith.index_cast %scan3A_28 : i32 to index
        %swap3A_135 = arith.constant 112 : index
        %swap3A_136 = tpu.vector_load %arg9[%swap3A_134, %swap3A_135] {strides = array<i32>} : memref<80x128xf32, #tpu.memory_space<vmem>>, vector<1x16xf32>,
        %swap3A_137 = vector.shape_cast %swap3A_136 : vector<1x16xf32> to vector<16xf32>
        %swap3A_138 = vector.shape_cast %add3A_133 : vector<16xf32> to vector<1x16xf32>
        tpu.vector_store %arg9[%swap3A_134, %swap3A_135], %swap3A_138 {strides = array<i32>} : memref<80x128xf32, #tpu.memory_space<vmem>>, vector<1x16xf32>,
      }
      %scan3A_27 = arith.constant 80 : i32
      "tpu.region"() ({
        %run_scoped3A = tpu.sem_alloc : memref<!tpu.dma_semaphore, #tpu.memory_space<semaphore_mem>>
        %dma_start3A_28 = arith.constant 0 : i32
        %dma_start3A_29 = tpu.memref_slice %arg6[%add3A_11, %dma_start3A_28] : memref<320000x128xf32, #tpu.memory_space<hbm>> -> memref<80x128xf32, #tpu.memory_space<hbm>>
        %dma_start3A_30 = arith.constant 0 : i32
        %dma_start3A_31 = tpu.memref_slice %arg6[%add3A_11, %dma_start3A_30] : memref<320000x128xf32, #tpu.memory_space<hbm>> -> memref<80x128xf32, #tpu.memory_space<hbm>>
        tpu.enqueue_dma source(%arg9 : memref<80x128xf32, #tpu.memory_space<vmem>>) target(%dma_start3A_31 : memref<80x128xf32, #tpu.memory_space<hbm>>) target_semaphore(%run_scoped3A : memref<!tpu.dma_semaphore, #tpu.memory_space<semaphore_mem>>)
        %dma_wait3A_32 = arith.constant 0 : i32
        %dma_wait3A_33 = tpu.memref_slice %arg6[%add3A_11, %dma_wait3A_32] : memref<320000x128xf32, #tpu.memory_space<hbm>> -> memref<80x128xf32, #tpu.memory_space<hbm>>
        %dma_wait3A_34 = arith.constant 0 : i32
        %dma_wait3A_35 = tpu.memref_slice %arg6[%add3A_11, %dma_wait3A_34] : memref<320000x128xf32, #tpu.memory_space<hbm>> -> memref<80x128xf32, #tpu.memory_space<hbm>>
        tpu.wait_dma2 semaphore(%run_scoped3A : memref<!tpu.dma_semaphore, #tpu.memory_space<semaphore_mem>>) src(%arg9 : memref<80x128xf32, #tpu.memory_space<vmem>>) dst(%dma_wait3A_35 : memref<80x128xf32, #tpu.memory_space<hbm>>)
        tpu.yield
      }) : () -> ()
    }
    %scan3A_7 = arith.constant 125 : i32
    return
  }
}

module attributes {stable_mosaic.version = 14 : i64} {
  func.func @_pq_body(%arg0: i32, %arg1: memref<2000x128xf32, #tpu.memory_space<vmem>>, %arg2: memref<128x128xf32, #tpu.memory_space<vmem>>, %arg3: memref<128x128xf32, #tpu.memory_space<vmem>>, %arg4: memref<2000x128xf32, #tpu.memory_space<vmem>>, %arg5: memref<2000x128xf32, #tpu.memory_space<vmem>>) attributes {dimension_semantics = [#tpu.dimension_semantics<arbitrary>], iteration_bounds = array<i64: 5>, scalar_prefetch = 0 : i64, scratch_operands = 0 : i64, tpu.core_type = #tpu.core_type<tc>, window_params = [{transform_indices = @transform_0, window_bounds = array<i64: 2000, 128>}, {pipeline_mode = #tpu.pipeline_mode<synchronous>, transform_indices = @transform_1, window_bounds = array<i64: 128, 128>}, {pipeline_mode = #tpu.pipeline_mode<synchronous>, transform_indices = @transform_2, window_bounds = array<i64: 128, 128>}, {transform_indices = @transform_3, window_bounds = array<i64: 2000, 128>}, {transform_indices = @transform_4, window_bounds = array<i64: 2000, 128>}]} {
    %get3A = arith.constant 0 : index
    %get3A_0 = arith.constant 0 : index
    %get3A_1 = vector.load %arg1[%get3A, %get3A_0] : memref<2000x128xf32, #tpu.memory_space<vmem>>, vector<2000x128xf32>
    %get3A_2 = arith.constant 0 : index
    %get3A_3 = arith.constant 0 : index
    %get3A_4 = vector.load %arg2[%get3A_2, %get3A_3] : memref<128x128xf32, #tpu.memory_space<vmem>>, vector<128x128xf32>
    %dot_general3A = arith.constant dense<0.000000e+00> : vector<2000x128xf32>
    %dot_general3A_5 = tpu.matmul %get3A_1, %get3A_4, %dot_general3A {dimension_numbers = #tpu.dot_dimension_numbers<[1], [0], [0], [1], [0, 0, 1, 1], [], []>, transpose_lhs_hint = false} : vector<2000x128xf32>, vector<128x128xf32>, vector<2000x128xf32> -> vector<2000x128xf32>
    %swap3A = arith.constant 0 : index
    %swap3A_6 = arith.constant 0 : index
    %swap3A_7 = vector.load %arg4[%swap3A, %swap3A_6] : memref<2000x128xf32, #tpu.memory_space<vmem>>, vector<2000x128xf32>
    tpu.vector_store %arg4[%swap3A, %swap3A_6], %dot_general3A_5 {strides = array<i32>} : memref<2000x128xf32, #tpu.memory_space<vmem>>, vector<2000x128xf32>,
    %get3A_8 = arith.constant 0 : index
    %get3A_9 = arith.constant 0 : index
    %get3A_10 = vector.load %arg3[%get3A_8, %get3A_9] : memref<128x128xf32, #tpu.memory_space<vmem>>, vector<128x128xf32>
    %dot_general3A_11 = arith.constant dense<0.000000e+00> : vector<2000x128xf32>
    %dot_general3A_12 = tpu.matmul %get3A_1, %get3A_10, %dot_general3A_11 {dimension_numbers = #tpu.dot_dimension_numbers<[1], [0], [0], [1], [0, 0, 1, 1], [], []>, transpose_lhs_hint = false} : vector<2000x128xf32>, vector<128x128xf32>, vector<2000x128xf32> -> vector<2000x128xf32>
    %swap3A_13 = arith.constant 0 : index
    %swap3A_14 = arith.constant 0 : index
    %swap3A_15 = vector.load %arg5[%swap3A_13, %swap3A_14] : memref<2000x128xf32, #tpu.memory_space<vmem>>, vector<2000x128xf32>
    tpu.vector_store %arg5[%swap3A_13, %swap3A_14], %dot_general3A_12 {strides = array<i32>} : memref<2000x128xf32, #tpu.memory_space<vmem>>, vector<2000x128xf32>,
    return
  }
  func.func @transform_0(%arg0: i32) -> (i32, i32) {
    %c0_i32 = arith.constant 0 : i32
    %c0_i32_0 = arith.constant 0 : i32
    return %arg0, %c0_i32 : i32, i32
  }
  func.func @transform_1(%arg0: i32) -> (i32, i32) {
    %c0_i32 = arith.constant 0 : i32
    %c0_i32_0 = arith.constant 0 : i32
    %c0_i32_1 = arith.constant 0 : i32
    return %c0_i32, %c0_i32_0 : i32, i32
  }
  func.func @transform_2(%arg0: i32) -> (i32, i32) {
    %c0_i32 = arith.constant 0 : i32
    %c0_i32_0 = arith.constant 0 : i32
    %c0_i32_1 = arith.constant 0 : i32
    return %c0_i32, %c0_i32_0 : i32, i32
  }
  func.func @transform_3(%arg0: i32) -> (i32, i32) {
    %c0_i32 = arith.constant 0 : i32
    %c0_i32_0 = arith.constant 0 : i32
    return %arg0, %c0_i32 : i32, i32
  }
  func.func @transform_4(%arg0: i32) -> (i32, i32) {
    %c0_i32 = arith.constant 0 : i32
    %c0_i32_0 = arith.constant 0 : i32
    return %arg0, %c0_i32 : i32, i32
  }
}

module attributes {stable_mosaic.version = 14 : i64} {
  func.func @_edge_body(%arg0: i32, %arg1: memref<3200x128xf32, #tpu.memory_space<vmem>>, %arg2: memref<3200x16xf32, #tpu.memory_space<vmem>>, %arg3: memref<1x64xf32, #tpu.memory_space<vmem>>, %arg4: memref<64x128xf32, #tpu.memory_space<vmem>>, %arg5: memref<16x128xf32, #tpu.memory_space<vmem>>, %arg6: memref<1x128xf32, #tpu.memory_space<vmem>>, %arg7: memref<128x128xf32, #tpu.memory_space<vmem>>, %arg8: memref<1x128xf32, #tpu.memory_space<vmem>>, %arg9: memref<3200x128xf32, #tpu.memory_space<vmem>>, %arg10: memref<1x128xf32, #tpu.memory_space<vmem>>, %arg11: memref<1x128xf32, #tpu.memory_space<vmem>>) attributes {dimension_semantics = [#tpu.dimension_semantics<arbitrary>], iteration_bounds = array<i64: 100>, scalar_prefetch = 0 : i64, scratch_operands = 1 : i64, tpu.core_type = #tpu.core_type<tc>, window_params = [{transform_indices = @transform_0, window_bounds = array<i64: 3200, 128>}, {transform_indices = @transform_1, window_bounds = array<i64: 3200, 16>}, {pipeline_mode = #tpu.pipeline_mode<synchronous>, transform_indices = @transform_2, window_bounds = array<i64: 1, 64>}, {pipeline_mode = #tpu.pipeline_mode<synchronous>, transform_indices = @transform_3, window_bounds = array<i64: 64, 128>}, {pipeline_mode = #tpu.pipeline_mode<synchronous>, transform_indices = @transform_4, window_bounds = array<i64: 16, 128>}, {pipeline_mode = #tpu.pipeline_mode<synchronous>, transform_indices = @transform_5, window_bounds = array<i64: 1, 128>}, {pipeline_mode = #tpu.pipeline_mode<synchronous>, transform_indices = @transform_6, window_bounds = array<i64: 128, 128>}, {pipeline_mode = #tpu.pipeline_mode<synchronous>, transform_indices = @transform_7, window_bounds = array<i64: 1, 128>}, {transform_indices = @transform_8, window_bounds = array<i64: 3200, 128>}, {pipeline_mode = #tpu.pipeline_mode<synchronous>, transform_indices = @transform_9, window_bounds = array<i64: 1, 128>}]} {
    %get3A = arith.constant 0 : index
    %get3A_0 = arith.constant 0 : index
    %get3A_1 = vector.load %arg3[%get3A, %get3A_0] : memref<1x64xf32, #tpu.memory_space<vmem>>, vector<1x64xf32>
    %get3A_2 = arith.constant 0 : index
    %get3A_3 = arith.constant 0 : index
    %get3A_4 = vector.load %arg4[%get3A_2, %get3A_3] : memref<64x128xf32, #tpu.memory_space<vmem>>, vector<64x128xf32>
    %dot_general3A = arith.constant dense<0.000000e+00> : vector<1x128xf32>
    %dot_general3A_5 = tpu.matmul %get3A_1, %get3A_4, %dot_general3A {dimension_numbers = #tpu.dot_dimension_numbers<[1], [0], [0], [1], [0, 0, 1, 1], [], []>, transpose_lhs_hint = false} : vector<1x64xf32>, vector<64x128xf32>, vector<1x128xf32> -> vector<1x128xf32>
    %get3A_6 = arith.constant 0 : index
    %get3A_7 = arith.constant 0 : index
    %get3A_8 = vector.load %arg6[%get3A_6, %get3A_7] : memref<1x128xf32, #tpu.memory_space<vmem>>, vector<1x128xf32>
    %add3A = arith.addf %dot_general3A_5, %get3A_8 : vector<1x128xf32>
    %get3A_9 = arith.constant 0 : index
    %get3A_10 = arith.constant 0 : index
    %get3A_11 = vector.load %arg1[%get3A_9, %get3A_10] : memref<3200x128xf32, #tpu.memory_space<vmem>>, vector<3200x128xf32>
    %get3A_12 = arith.constant 0 : index
    %get3A_13 = arith.constant 0 : index
    %get3A_14 = vector.load %arg2[%get3A_12, %get3A_13] : memref<3200x16xf32, #tpu.memory_space<vmem>>, vector<3200x16xf32>
    %get3A_15 = arith.constant 0 : index
    %get3A_16 = arith.constant 0 : index
    %get3A_17 = vector.load %arg5[%get3A_15, %get3A_16] : memref<16x128xf32, #tpu.memory_space<vmem>>, vector<16x128xf32>
    %dot_general3A_18 = arith.constant dense<0.000000e+00> : vector<3200x128xf32>
    %dot_general3A_19 = tpu.matmul %get3A_14, %get3A_17, %dot_general3A_18 {dimension_numbers = #tpu.dot_dimension_numbers<[1], [0], [0], [1], [0, 0, 1, 1], [], []>, transpose_lhs_hint = false} : vector<3200x16xf32>, vector<16x128xf32>, vector<3200x128xf32> -> vector<3200x128xf32>
    %add3A_20 = arith.addf %get3A_11, %dot_general3A_19 : vector<3200x128xf32>
    %add3A_21 = vector.broadcast %add3A : vector<1x128xf32> to vector<3200x128xf32>
    %add3A_22 = arith.addf %add3A_20, %add3A_21 : vector<3200x128xf32>
    %max3A = arith.constant 0.000000e+00 : f32
    %max3A_23 = vector.broadcast %max3A : f32 to vector<3200x128xf32>
    %max3A_24 = arith.maximumf %add3A_22, %max3A_23 : vector<3200x128xf32>
    %get3A_25 = arith.constant 0 : index
    %get3A_26 = arith.constant 0 : index
    %get3A_27 = vector.load %arg7[%get3A_25, %get3A_26] : memref<128x128xf32, #tpu.memory_space<vmem>>, vector<128x128xf32>
    %dot_general3A_28 = arith.constant dense<0.000000e+00> : vector<3200x128xf32>
    %dot_general3A_29 = tpu.matmul %max3A_24, %get3A_27, %dot_general3A_28 {dimension_numbers = #tpu.dot_dimension_numbers<[1], [0], [0], [1], [0, 0, 1, 1], [], []>, transpose_lhs_hint = false} : vector<3200x128xf32>, vector<128x128xf32>, vector<3200x128xf32> -> vector<3200x128xf32>
    %get3A_30 = arith.constant 0 : index
    %get3A_31 = arith.constant 0 : index
    %get3A_32 = vector.load %arg8[%get3A_30, %get3A_31] : memref<1x128xf32, #tpu.memory_space<vmem>>, vector<1x128xf32>
    %add3A_33 = vector.broadcast %get3A_32 : vector<1x128xf32> to vector<3200x128xf32>
    %add3A_34 = arith.addf %dot_general3A_29, %add3A_33 : vector<3200x128xf32>
    %max3A_35 = arith.constant 0.000000e+00 : f32
    %max3A_36 = vector.broadcast %max3A_35 : f32 to vector<3200x128xf32>
    %max3A_37 = arith.maximumf %add3A_34, %max3A_36 : vector<3200x128xf32>
    %swap3A = arith.constant 0 : index
    %swap3A_38 = arith.constant 0 : index
    %swap3A_39 = vector.load %arg9[%swap3A, %swap3A_38] : memref<3200x128xf32, #tpu.memory_space<vmem>>, vector<3200x128xf32>
    tpu.vector_store %arg9[%swap3A, %swap3A_38], %max3A_37 {strides = array<i32>} : memref<3200x128xf32, #tpu.memory_space<vmem>>, vector<3200x128xf32>,
    %eq3A = arith.constant 0 : i32
    %eq3A_40 = arith.cmpi eq, %arg0, %eq3A : i32
    %convert_element_type3A = arith.extui %eq3A_40 : i1 to i32
    %cond3A = arith.constant 0 : i32
    %cond3A_41 = arith.cmpi ne, %convert_element_type3A, %cond3A : i32
    scf.if %cond3A_41 {
      %broadcast_in_dim3A_55 = arith.constant 0.000000e+00 : f32
      %broadcast_in_dim3A_56 = vector.broadcast %broadcast_in_dim3A_55 : f32 to vector<1x128xf32>
      %swap3A_57 = arith.constant 0 : index
      %swap3A_58 = arith.constant 0 : index
      %swap3A_59 = vector.load %arg11[%swap3A_57, %swap3A_58] : memref<1x128xf32, #tpu.memory_space<vmem>>, vector<1x128xf32>
      tpu.vector_store %arg11[%swap3A_57, %swap3A_58], %broadcast_in_dim3A_56 {strides = array<i32>} : memref<1x128xf32, #tpu.memory_space<vmem>>, vector<1x128xf32>,
    } else {
    }
    %get3A_42 = arith.constant 0 : index
    %get3A_43 = arith.constant 0 : index
    %get3A_44 = vector.load %arg11[%get3A_42, %get3A_43] : memref<1x128xf32, #tpu.memory_space<vmem>>, vector<1x128xf32>
    %reduce_sum3A = arith.constant dense<0.000000e+00> : vector<128xf32>
    %reduce_sum3A_45 = vector.multi_reduction <add>, %max3A_37, %reduce_sum3A [0] : vector<3200x128xf32> to vector<128xf32>
    %broadcast_in_dim3A = vector.shape_cast %reduce_sum3A_45 : vector<128xf32> to vector<1x128xf32>
    %add3A_46 = arith.addf %get3A_44, %broadcast_in_dim3A : vector<1x128xf32>
    %swap3A_47 = arith.constant 0 : index
    %swap3A_48 = arith.constant 0 : index
    %swap3A_49 = vector.load %arg11[%swap3A_47, %swap3A_48] : memref<1x128xf32, #tpu.memory_space<vmem>>, vector<1x128xf32>
    tpu.vector_store %arg11[%swap3A_47, %swap3A_48], %add3A_46 {strides = array<i32>} : memref<1x128xf32, #tpu.memory_space<vmem>>, vector<1x128xf32>,
    %eq3A_50 = arith.constant 99 : i32
    %eq3A_51 = arith.cmpi eq, %arg0, %eq3A_50 : i32
    %convert_element_type3A_52 = arith.extui %eq3A_51 : i1 to i32
    %cond3A_53 = arith.constant 0 : i32
    %cond3A_54 = arith.cmpi ne, %convert_element_type3A_52, %cond3A_53 : i32
    scf.if %cond3A_54 {
      %get3A_55 = arith.constant 0 : index
      %get3A_56 = arith.constant 0 : index
      %get3A_57 = vector.load %arg11[%get3A_55, %get3A_56] : memref<1x128xf32, #tpu.memory_space<vmem>>, vector<1x128xf32>
      %swap3A_58 = arith.constant 0 : index
      %swap3A_59 = arith.constant 0 : index
      %swap3A_60 = vector.load %arg10[%swap3A_58, %swap3A_59] : memref<1x128xf32, #tpu.memory_space<vmem>>, vector<1x128xf32>
      tpu.vector_store %arg10[%swap3A_58, %swap3A_59], %get3A_57 {strides = array<i32>} : memref<1x128xf32, #tpu.memory_space<vmem>>, vector<1x128xf32>,
    } else {
    }
    return
  }
  func.func @transform_0(%arg0: i32) -> (i32, i32) {
    %c0_i32 = arith.constant 0 : i32
    %c0_i32_0 = arith.constant 0 : i32
    return %arg0, %c0_i32 : i32, i32
  }
  func.func @transform_1(%arg0: i32) -> (i32, i32) {
    %c0_i32 = arith.constant 0 : i32
    %c0_i32_0 = arith.constant 0 : i32
    return %arg0, %c0_i32 : i32, i32
  }
  func.func @transform_2(%arg0: i32) -> (i32, i32) {
    %c0_i32 = arith.constant 0 : i32
    %c0_i32_0 = arith.constant 0 : i32
    %c0_i32_1 = arith.constant 0 : i32
    return %c0_i32, %c0_i32_0 : i32, i32
  }
  func.func @transform_3(%arg0: i32) -> (i32, i32) {
    %c0_i32 = arith.constant 0 : i32
    %c0_i32_0 = arith.constant 0 : i32
    %c0_i32_1 = arith.constant 0 : i32
    return %c0_i32, %c0_i32_0 : i32, i32
  }
  func.func @transform_4(%arg0: i32) -> (i32, i32) {
    %c0_i32 = arith.constant 0 : i32
    %c0_i32_0 = arith.constant 0 : i32
    %c0_i32_1 = arith.constant 0 : i32
    return %c0_i32, %c0_i32_0 : i32, i32
  }
  func.func @transform_5(%arg0: i32) -> (i32, i32) {
    %c0_i32 = arith.constant 0 : i32
    %c0_i32_0 = arith.constant 0 : i32
    %c0_i32_1 = arith.constant 0 : i32
    return %c0_i32, %c0_i32_0 : i32, i32
  }
  func.func @transform_6(%arg0: i32) -> (i32, i32) {
    %c0_i32 = arith.constant 0 : i32
    %c0_i32_0 = arith.constant 0 : i32
    %c0_i32_1 = arith.constant 0 : i32
    return %c0_i32, %c0_i32_0 : i32, i32
  }
  func.func @transform_7(%arg0: i32) -> (i32, i32) {
    %c0_i32 = arith.constant 0 : i32
    %c0_i32_0 = arith.constant 0 : i32
    %c0_i32_1 = arith.constant 0 : i32
    return %c0_i32, %c0_i32_0 : i32, i32
  }
  func.func @transform_8(%arg0: i32) -> (i32, i32) {
    %c0_i32 = arith.constant 0 : i32
    %c0_i32_0 = arith.constant 0 : i32
    return %arg0, %c0_i32 : i32, i32
  }
  func.func @transform_9(%arg0: i32) -> (i32, i32) {
    %c0_i32 = arith.constant 0 : i32
    %c0_i32_0 = arith.constant 0 : i32
    %c0_i32_1 = arith.constant 0 : i32
    return %c0_i32, %c0_i32_0 : i32, i32
  }
}

module attributes {stable_mosaic.version = 14 : i64} {
  func.func @_node_body(%arg0: i32, %arg1: memref<2000x128xf32, #tpu.memory_space<vmem>>, %arg2: memref<2000x128xf32, #tpu.memory_space<vmem>>, %arg3: memref<2000x16xf32, #tpu.memory_space<vmem>>, %arg4: memref<1x64xf32, #tpu.memory_space<vmem>>, %arg5: memref<128x128xf32, #tpu.memory_space<vmem>>, %arg6: memref<128x128xf32, #tpu.memory_space<vmem>>, %arg7: memref<64x128xf32, #tpu.memory_space<vmem>>, %arg8: memref<1x128xf32, #tpu.memory_space<vmem>>, %arg9: memref<128x128xf32, #tpu.memory_space<vmem>>, %arg10: memref<1x128xf32, #tpu.memory_space<vmem>>, %arg11: memref<1x128xf32, #tpu.memory_space<vmem>>, %arg12: memref<64x128xf32, #tpu.memory_space<vmem>>, %arg13: memref<128x128xf32, #tpu.memory_space<vmem>>, %arg14: memref<128x128xf32, #tpu.memory_space<vmem>>, %arg15: memref<1x128xf32, #tpu.memory_space<vmem>>, %arg16: memref<128x64xf32, #tpu.memory_space<vmem>>, %arg17: memref<1x64xf32, #tpu.memory_space<vmem>>, %arg18: memref<2000x128xf32, #tpu.memory_space<vmem>>, %arg19: memref<1x64xf32, #tpu.memory_space<vmem>>, %arg20: memref<1x128xf32, #tpu.memory_space<vmem>>) attributes {dimension_semantics = [#tpu.dimension_semantics<arbitrary>], iteration_bounds = array<i64: 5>, scalar_prefetch = 0 : i64, scratch_operands = 1 : i64, tpu.core_type = #tpu.core_type<tc>, window_params = [{transform_indices = @transform_0, window_bounds = array<i64: 2000, 128>}, {transform_indices = @transform_1, window_bounds = array<i64: 2000, 128>}, {transform_indices = @transform_2, window_bounds = array<i64: 2000, 16>}, {pipeline_mode = #tpu.pipeline_mode<synchronous>, transform_indices = @transform_3, window_bounds = array<i64: 1, 64>}, {pipeline_mode = #tpu.pipeline_mode<synchronous>, transform_indices = @transform_4, window_bounds = array<i64: 128, 128>}, {pipeline_mode = #tpu.pipeline_mode<synchronous>, transform_indices = @transform_5, window_bounds = array<i64: 128, 128>}, {pipeline_mode = #tpu.pipeline_mode<synchronous>, transform_indices = @transform_6, window_bounds = array<i64: 64, 128>}, {pipeline_mode = #tpu.pipeline_mode<synchronous>, transform_indices = @transform_7, window_bounds = array<i64: 1, 128>}, {pipeline_mode = #tpu.pipeline_mode<synchronous>, transform_indices = @transform_8, window_bounds = array<i64: 128, 128>}, {pipeline_mode = #tpu.pipeline_mode<synchronous>, transform_indices = @transform_9, window_bounds = array<i64: 1, 128>}, {pipeline_mode = #tpu.pipeline_mode<synchronous>, transform_indices = @transform_10, window_bounds = array<i64: 1, 128>}, {pipeline_mode = #tpu.pipeline_mode<synchronous>, transform_indices = @transform_11, window_bounds = array<i64: 64, 128>}, {pipeline_mode = #tpu.pipeline_mode<synchronous>, transform_indices = @transform_12, window_bounds = array<i64: 128, 128>}, {pipeline_mode = #tpu.pipeline_mode<synchronous>, transform_indices = @transform_13, window_bounds = array<i64: 128, 128>}, {pipeline_mode = #tpu.pipeline_mode<synchronous>, transform_indices = @transform_14, window_bounds = array<i64: 1, 128>}, {pipeline_mode = #tpu.pipeline_mode<synchronous>, transform_indices = @transform_15, window_bounds = array<i64: 128, 64>}, {pipeline_mode = #tpu.pipeline_mode<synchronous>, transform_indices = @transform_16, window_bounds = array<i64: 1, 64>}, {transform_indices = @transform_17, window_bounds = array<i64: 2000, 128>}, {pipeline_mode = #tpu.pipeline_mode<synchronous>, transform_indices = @transform_18, window_bounds = array<i64: 1, 64>}]} {
    %get3A = arith.constant 0 : index
    %get3A_0 = arith.constant 0 : index
    %get3A_1 = vector.load %arg2[%get3A, %get3A_0] : memref<2000x128xf32, #tpu.memory_space<vmem>>, vector<2000x128xf32>
    %get3A_2 = arith.constant 0 : index
    %get3A_3 = arith.constant 0 : index
    %get3A_4 = vector.load %arg3[%get3A_2, %get3A_3] : memref<2000x16xf32, #tpu.memory_space<vmem>>, vector<2000x16xf32>
    %slice3A = vector.extract_strided_slice %get3A_4 {offsets = [0, 0], sizes = [2000, 1], strides = [1, 1]} : vector<2000x16xf32> to vector<2000x1xf32>
    %max3A = arith.constant 1.000000e+00 : f32
    %max3A_5 = vector.broadcast %max3A : f32 to vector<2000x1xf32>
    %max3A_6 = arith.maximumf %slice3A, %max3A_5 : vector<2000x1xf32>
    %div3A = vector.broadcast %max3A_6 : vector<2000x1xf32> to vector<2000x128xf32>
    %div3A_7 = arith.divf %get3A_1, %div3A : vector<2000x128xf32>
    %get3A_8 = arith.constant 0 : index
    %get3A_9 = arith.constant 0 : index
    %get3A_10 = vector.load %arg4[%get3A_8, %get3A_9] : memref<1x64xf32, #tpu.memory_space<vmem>>, vector<1x64xf32>
    %get3A_11 = arith.constant 0 : index
    %get3A_12 = arith.constant 0 : index
    %get3A_13 = vector.load %arg7[%get3A_11, %get3A_12] : memref<64x128xf32, #tpu.memory_space<vmem>>, vector<64x128xf32>
    %dot_general3A = arith.constant dense<0.000000e+00> : vector<1x128xf32>
    %dot_general3A_14 = tpu.matmul %get3A_10, %get3A_13, %dot_general3A {dimension_numbers = #tpu.dot_dimension_numbers<[1], [0], [0], [1], [0, 0, 1, 1], [], []>, transpose_lhs_hint = false} : vector<1x64xf32>, vector<64x128xf32>, vector<1x128xf32> -> vector<1x128xf32>
    %get3A_15 = arith.constant 0 : index
    %get3A_16 = arith.constant 0 : index
    %get3A_17 = vector.load %arg8[%get3A_15, %get3A_16] : memref<1x128xf32, #tpu.memory_space<vmem>>, vector<1x128xf32>
    %add3A = arith.addf %dot_general3A_14, %get3A_17 : vector<1x128xf32>
    %get3A_18 = arith.constant 0 : index
    %get3A_19 = arith.constant 0 : index
    %get3A_20 = vector.load %arg1[%get3A_18, %get3A_19] : memref<2000x128xf32, #tpu.memory_space<vmem>>, vector<2000x128xf32>
    %get3A_21 = arith.constant 0 : index
    %get3A_22 = arith.constant 0 : index
    %get3A_23 = vector.load %arg5[%get3A_21, %get3A_22] : memref<128x128xf32, #tpu.memory_space<vmem>>, vector<128x128xf32>
    %dot_general3A_24 = arith.constant dense<0.000000e+00> : vector<2000x128xf32>
    %dot_general3A_25 = tpu.matmul %get3A_20, %get3A_23, %dot_general3A_24 {dimension_numbers = #tpu.dot_dimension_numbers<[1], [0], [0], [1], [0, 0, 1, 1], [], []>, transpose_lhs_hint = false} : vector<2000x128xf32>, vector<128x128xf32>, vector<2000x128xf32> -> vector<2000x128xf32>
    %get3A_26 = arith.constant 0 : index
    %get3A_27 = arith.constant 0 : index
    %get3A_28 = vector.load %arg6[%get3A_26, %get3A_27] : memref<128x128xf32, #tpu.memory_space<vmem>>, vector<128x128xf32>
    %dot_general3A_29 = arith.constant dense<0.000000e+00> : vector<2000x128xf32>
    %dot_general3A_30 = tpu.matmul %div3A_7, %get3A_28, %dot_general3A_29 {dimension_numbers = #tpu.dot_dimension_numbers<[1], [0], [0], [1], [0, 0, 1, 1], [], []>, transpose_lhs_hint = false} : vector<2000x128xf32>, vector<128x128xf32>, vector<2000x128xf32> -> vector<2000x128xf32>
    %add3A_31 = arith.addf %dot_general3A_25, %dot_general3A_30 : vector<2000x128xf32>
    %add3A_32 = vector.broadcast %add3A : vector<1x128xf32> to vector<2000x128xf32>
    %add3A_33 = arith.addf %add3A_31, %add3A_32 : vector<2000x128xf32>
    %max3A_34 = arith.constant 0.000000e+00 : f32
    %max3A_35 = vector.broadcast %max3A_34 : f32 to vector<2000x128xf32>
    %max3A_36 = arith.maximumf %add3A_33, %max3A_35 : vector<2000x128xf32>
    %get3A_37 = arith.constant 0 : index
    %get3A_38 = arith.constant 0 : index
    %get3A_39 = vector.load %arg9[%get3A_37, %get3A_38] : memref<128x128xf32, #tpu.memory_space<vmem>>, vector<128x128xf32>
    %dot_general3A_40 = arith.constant dense<0.000000e+00> : vector<2000x128xf32>
    %dot_general3A_41 = tpu.matmul %max3A_36, %get3A_39, %dot_general3A_40 {dimension_numbers = #tpu.dot_dimension_numbers<[1], [0], [0], [1], [0, 0, 1, 1], [], []>, transpose_lhs_hint = false} : vector<2000x128xf32>, vector<128x128xf32>, vector<2000x128xf32> -> vector<2000x128xf32>
    %get3A_42 = arith.constant 0 : index
    %get3A_43 = arith.constant 0 : index
    %get3A_44 = vector.load %arg10[%get3A_42, %get3A_43] : memref<1x128xf32, #tpu.memory_space<vmem>>, vector<1x128xf32>
    %add3A_45 = vector.broadcast %get3A_44 : vector<1x128xf32> to vector<2000x128xf32>
    %add3A_46 = arith.addf %dot_general3A_41, %add3A_45 : vector<2000x128xf32>
    %max3A_47 = arith.constant 0.000000e+00 : f32
    %max3A_48 = vector.broadcast %max3A_47 : f32 to vector<2000x128xf32>
    %max3A_49 = arith.maximumf %add3A_46, %max3A_48 : vector<2000x128xf32>
    %swap3A = arith.constant 0 : index
    %swap3A_50 = arith.constant 0 : index
    %swap3A_51 = vector.load %arg18[%swap3A, %swap3A_50] : memref<2000x128xf32, #tpu.memory_space<vmem>>, vector<2000x128xf32>
    tpu.vector_store %arg18[%swap3A, %swap3A_50], %max3A_49 {strides = array<i32>} : memref<2000x128xf32, #tpu.memory_space<vmem>>, vector<2000x128xf32>,
    %eq3A = arith.constant 0 : i32
    %eq3A_52 = arith.cmpi eq, %arg0, %eq3A : i32
    %convert_element_type3A = arith.extui %eq3A_52 : i1 to i32
    %cond3A = arith.constant 0 : i32
    %cond3A_53 = arith.cmpi ne, %convert_element_type3A, %cond3A : i32
    scf.if %cond3A_53 {
      %broadcast_in_dim3A_67 = arith.constant 0.000000e+00 : f32
      %broadcast_in_dim3A_68 = vector.broadcast %broadcast_in_dim3A_67 : f32 to vector<1x128xf32>
      %swap3A_69 = arith.constant 0 : index
      %swap3A_70 = arith.constant 0 : index
      %swap3A_71 = vector.load %arg20[%swap3A_69, %swap3A_70] : memref<1x128xf32, #tpu.memory_space<vmem>>, vector<1x128xf32>
      tpu.vector_store %arg20[%swap3A_69, %swap3A_70], %broadcast_in_dim3A_68 {strides = array<i32>} : memref<1x128xf32, #tpu.memory_space<vmem>>, vector<1x128xf32>,
    } else {
    }
    %get3A_54 = arith.constant 0 : index
    %get3A_55 = arith.constant 0 : index
    %get3A_56 = vector.load %arg20[%get3A_54, %get3A_55] : memref<1x128xf32, #tpu.memory_space<vmem>>, vector<1x128xf32>
    %reduce_sum3A = arith.constant dense<0.000000e+00> : vector<128xf32>
    %reduce_sum3A_57 = vector.multi_reduction <add>, %max3A_49, %reduce_sum3A [0] : vector<2000x128xf32> to vector<128xf32>
    %broadcast_in_dim3A = vector.shape_cast %reduce_sum3A_57 : vector<128xf32> to vector<1x128xf32>
    %add3A_58 = arith.addf %get3A_56, %broadcast_in_dim3A : vector<1x128xf32>
    %swap3A_59 = arith.constant 0 : index
    %swap3A_60 = arith.constant 0 : index
    %swap3A_61 = vector.load %arg20[%swap3A_59, %swap3A_60] : memref<1x128xf32, #tpu.memory_space<vmem>>, vector<1x128xf32>
    tpu.vector_store %arg20[%swap3A_59, %swap3A_60], %add3A_58 {strides = array<i32>} : memref<1x128xf32, #tpu.memory_space<vmem>>, vector<1x128xf32>,
    %eq3A_62 = arith.constant 4 : i32
    %eq3A_63 = arith.cmpi eq, %arg0, %eq3A_62 : i32
    %convert_element_type3A_64 = arith.extui %eq3A_63 : i1 to i32
    %cond3A_65 = arith.constant 0 : i32
    %cond3A_66 = arith.cmpi ne, %convert_element_type3A_64, %cond3A_65 : i32
    scf.if %cond3A_66 {
      %get3A_67 = arith.constant 0 : index
      %get3A_68 = arith.constant 0 : index
      %get3A_69 = vector.load %arg11[%get3A_67, %get3A_68] : memref<1x128xf32, #tpu.memory_space<vmem>>, vector<1x128xf32>
      %mul3A = arith.constant 3.125000e-06 : f32
      %mul3A_70 = vector.broadcast %mul3A : f32 to vector<1x128xf32>
      %mul3A_71 = arith.mulf %get3A_69, %mul3A_70 : vector<1x128xf32>
      %get3A_72 = arith.constant 0 : index
      %get3A_73 = arith.constant 0 : index
      %get3A_74 = vector.load %arg20[%get3A_72, %get3A_73] : memref<1x128xf32, #tpu.memory_space<vmem>>, vector<1x128xf32>
      %mul3A_75 = arith.constant 9.99999974E-5 : f32
      %mul3A_76 = vector.broadcast %mul3A_75 : f32 to vector<1x128xf32>
      %mul3A_77 = arith.mulf %get3A_74, %mul3A_76 : vector<1x128xf32>
      %get3A_78 = arith.constant 0 : index
      %get3A_79 = arith.constant 0 : index
      %get3A_80 = vector.load %arg4[%get3A_78, %get3A_79] : memref<1x64xf32, #tpu.memory_space<vmem>>, vector<1x64xf32>
      %get3A_81 = arith.constant 0 : index
      %get3A_82 = arith.constant 0 : index
      %get3A_83 = vector.load %arg12[%get3A_81, %get3A_82] : memref<64x128xf32, #tpu.memory_space<vmem>>, vector<64x128xf32>
      %dot_general3A_84 = arith.constant dense<0.000000e+00> : vector<1x128xf32>
      %dot_general3A_85 = tpu.matmul %get3A_80, %get3A_83, %dot_general3A_84 {dimension_numbers = #tpu.dot_dimension_numbers<[1], [0], [0], [1], [0, 0, 1, 1], [], []>, transpose_lhs_hint = false} : vector<1x64xf32>, vector<64x128xf32>, vector<1x128xf32> -> vector<1x128xf32>
      %get3A_86 = arith.constant 0 : index
      %get3A_87 = arith.constant 0 : index
      %get3A_88 = vector.load %arg13[%get3A_86, %get3A_87] : memref<128x128xf32, #tpu.memory_space<vmem>>, vector<128x128xf32>
      %dot_general3A_89 = arith.constant dense<0.000000e+00> : vector<1x128xf32>
      %dot_general3A_90 = tpu.matmul %mul3A_71, %get3A_88, %dot_general3A_89 {dimension_numbers = #tpu.dot_dimension_numbers<[1], [0], [0], [1], [0, 0, 1, 1], [], []>, transpose_lhs_hint = false} : vector<1x128xf32>, vector<128x128xf32>, vector<1x128xf32> -> vector<1x128xf32>
      %add3A_91 = arith.addf %dot_general3A_85, %dot_general3A_90 : vector<1x128xf32>
      %get3A_92 = arith.constant 0 : index
      %get3A_93 = arith.constant 0 : index
      %get3A_94 = vector.load %arg14[%get3A_92, %get3A_93] : memref<128x128xf32, #tpu.memory_space<vmem>>, vector<128x128xf32>
      %dot_general3A_95 = arith.constant dense<0.000000e+00> : vector<1x128xf32>
      %dot_general3A_96 = tpu.matmul %mul3A_77, %get3A_94, %dot_general3A_95 {dimension_numbers = #tpu.dot_dimension_numbers<[1], [0], [0], [1], [0, 0, 1, 1], [], []>, transpose_lhs_hint = false} : vector<1x128xf32>, vector<128x128xf32>, vector<1x128xf32> -> vector<1x128xf32>
      %add3A_97 = arith.addf %add3A_91, %dot_general3A_96 : vector<1x128xf32>
      %get3A_98 = arith.constant 0 : index
      %get3A_99 = arith.constant 0 : index
      %get3A_100 = vector.load %arg15[%get3A_98, %get3A_99] : memref<1x128xf32, #tpu.memory_space<vmem>>, vector<1x128xf32>
      %add3A_101 = arith.addf %add3A_97, %get3A_100 : vector<1x128xf32>
      %max3A_102 = arith.constant 0.000000e+00 : f32
      %max3A_103 = vector.broadcast %max3A_102 : f32 to vector<1x128xf32>
      %max3A_104 = arith.maximumf %add3A_101, %max3A_103 : vector<1x128xf32>
      %get3A_105 = arith.constant 0 : index
      %get3A_106 = arith.constant 0 : index
      %get3A_107 = vector.load %arg16[%get3A_105, %get3A_106] : memref<128x64xf32, #tpu.memory_space<vmem>>, vector<128x64xf32>
      %dot_general3A_108 = arith.constant dense<0.000000e+00> : vector<1x64xf32>
      %dot_general3A_109 = tpu.matmul %max3A_104, %get3A_107, %dot_general3A_108 {dimension_numbers = #tpu.dot_dimension_numbers<[1], [0], [0], [1], [0, 0, 1, 1], [], []>, transpose_lhs_hint = false} : vector<1x128xf32>, vector<128x64xf32>, vector<1x64xf32> -> vector<1x64xf32>
      %get3A_110 = arith.constant 0 : index
      %get3A_111 = arith.constant 0 : index
      %get3A_112 = vector.load %arg17[%get3A_110, %get3A_111] : memref<1x64xf32, #tpu.memory_space<vmem>>, vector<1x64xf32>
      %add3A_113 = arith.addf %dot_general3A_109, %get3A_112 : vector<1x64xf32>
      %max3A_114 = arith.constant 0.000000e+00 : f32
      %max3A_115 = vector.broadcast %max3A_114 : f32 to vector<1x64xf32>
      %max3A_116 = arith.maximumf %add3A_113, %max3A_115 : vector<1x64xf32>
      %swap3A_117 = arith.constant 0 : index
      %swap3A_118 = arith.constant 0 : index
      %swap3A_119 = vector.load %arg19[%swap3A_117, %swap3A_118] : memref<1x64xf32, #tpu.memory_space<vmem>>, vector<1x64xf32>
      tpu.vector_store %arg19[%swap3A_117, %swap3A_118], %max3A_116 {strides = array<i32>} : memref<1x64xf32, #tpu.memory_space<vmem>>, vector<1x64xf32>,
    } else {
    }
    return
  }
  func.func @transform_0(%arg0: i32) -> (i32, i32) {
    %c0_i32 = arith.constant 0 : i32
    %c0_i32_0 = arith.constant 0 : i32
    return %arg0, %c0_i32 : i32, i32
  }
  func.func @transform_1(%arg0: i32) -> (i32, i32) {
    %c0_i32 = arith.constant 0 : i32
    %c0_i32_0 = arith.constant 0 : i32
    return %arg0, %c0_i32 : i32, i32
  }
  func.func @transform_2(%arg0: i32) -> (i32, i32) {
    %c0_i32 = arith.constant 0 : i32
    %c0_i32_0 = arith.constant 0 : i32
    return %arg0, %c0_i32 : i32, i32
  }
  func.func @transform_3(%arg0: i32) -> (i32, i32) {
    %c0_i32 = arith.constant 0 : i32
    %c0_i32_0 = arith.constant 0 : i32
    %c0_i32_1 = arith.constant 0 : i32
    return %c0_i32, %c0_i32_0 : i32, i32
  }
  func.func @transform_4(%arg0: i32) -> (i32, i32) {
    %c0_i32 = arith.constant 0 : i32
    %c0_i32_0 = arith.constant 0 : i32
    %c0_i32_1 = arith.constant 0 : i32
    return %c0_i32, %c0_i32_0 : i32, i32
  }
  func.func @transform_5(%arg0: i32) -> (i32, i32) {
    %c0_i32 = arith.constant 0 : i32
    %c0_i32_0 = arith.constant 0 : i32
    %c0_i32_1 = arith.constant 0 : i32
    return %c0_i32, %c0_i32_0 : i32, i32
  }
  func.func @transform_6(%arg0: i32) -> (i32, i32) {
    %c0_i32 = arith.constant 0 : i32
    %c0_i32_0 = arith.constant 0 : i32
    %c0_i32_1 = arith.constant 0 : i32
    return %c0_i32, %c0_i32_0 : i32, i32
  }
  func.func @transform_7(%arg0: i32) -> (i32, i32) {
    %c0_i32 = arith.constant 0 : i32
    %c0_i32_0 = arith.constant 0 : i32
    %c0_i32_1 = arith.constant 0 : i32
    return %c0_i32, %c0_i32_0 : i32, i32
  }
  func.func @transform_8(%arg0: i32) -> (i32, i32) {
    %c0_i32 = arith.constant 0 : i32
    %c0_i32_0 = arith.constant 0 : i32
    %c0_i32_1 = arith.constant 0 : i32
    return %c0_i32, %c0_i32_0 : i32, i32
  }
  func.func @transform_9(%arg0: i32) -> (i32, i32) {
    %c0_i32 = arith.constant 0 : i32
    %c0_i32_0 = arith.constant 0 : i32
    %c0_i32_1 = arith.constant 0 : i32
    return %c0_i32, %c0_i32_0 : i32, i32
  }
  func.func @transform_10(%arg0: i32) -> (i32, i32) {
    %c0_i32 = arith.constant 0 : i32
    %c0_i32_0 = arith.constant 0 : i32
    %c0_i32_1 = arith.constant 0 : i32
    return %c0_i32, %c0_i32_0 : i32, i32
  }
  func.func @transform_11(%arg0: i32) -> (i32, i32) {
    %c0_i32 = arith.constant 0 : i32
    %c0_i32_0 = arith.constant 0 : i32
    %c0_i32_1 = arith.constant 0 : i32
    return %c0_i32, %c0_i32_0 : i32, i32
  }
  func.func @transform_12(%arg0: i32) -> (i32, i32) {
    %c0_i32 = arith.constant 0 : i32
    %c0_i32_0 = arith.constant 0 : i32
    %c0_i32_1 = arith.constant 0 : i32
    return %c0_i32, %c0_i32_0 : i32, i32
  }
  func.func @transform_13(%arg0: i32) -> (i32, i32) {
    %c0_i32 = arith.constant 0 : i32
    %c0_i32_0 = arith.constant 0 : i32
    %c0_i32_1 = arith.constant 0 : i32
    return %c0_i32, %c0_i32_0 : i32, i32
  }
  func.func @transform_14(%arg0: i32) -> (i32, i32) {
    %c0_i32 = arith.constant 0 : i32
    %c0_i32_0 = arith.constant 0 : i32
    %c0_i32_1 = arith.constant 0 : i32
    return %c0_i32, %c0_i32_0 : i32, i32
  }
  func.func @transform_15(%arg0: i32) -> (i32, i32) {
    %c0_i32 = arith.constant 0 : i32
    %c0_i32_0 = arith.constant 0 : i32
    %c0_i32_1 = arith.constant 0 : i32
    return %c0_i32, %c0_i32_0 : i32, i32
  }
  func.func @transform_16(%arg0: i32) -> (i32, i32) {
    %c0_i32 = arith.constant 0 : i32
    %c0_i32_0 = arith.constant 0 : i32
    %c0_i32_1 = arith.constant 0 : i32
    return %c0_i32, %c0_i32_0 : i32, i32
  }
  func.func @transform_17(%arg0: i32) -> (i32, i32) {
    %c0_i32 = arith.constant 0 : i32
    %c0_i32_0 = arith.constant 0 : i32
    return %arg0, %c0_i32 : i32, i32
  }
  func.func @transform_18(%arg0: i32) -> (i32, i32) {
    %c0_i32 = arith.constant 0 : i32
    %c0_i32_0 = arith.constant 0 : i32
    %c0_i32_1 = arith.constant 0 : i32
    return %c0_i32, %c0_i32_0 : i32, i32
  }
}

</mosaic_0001>

<sc_bundles>
// kernel: kernel.6.cloned.1.call-start
scs
__scs_entry_jumppad:
0x0: {  	(pc) =	sbr.rel $0x88, $3  }
0x1: {  	(tag) =	ssettag $0x0;
	lr =	simm.s32 $0x1  }
0x2: {  	[smem:$0x3F91] =	sst lr;
	_ =	strace $0xD0000000  }
0x3: {  	_ = 	snop  }
0x4: {  	_ = 	snop  }
0x5: {  	_ = 	snop  }
0x6: {  	_ = 	snop  }
0x7: {  	_ = 	snop  }
__scs_overlays_trampoline_lowered:
0x8: {  	[smem:$0x3FA0] =	sst s0  }
0x9: {  	[smem:$0x3FA1] =	sst s1  }
0xa: {  	[smem:$0x3FA2] =	sst s2  }
0xb: {  	[smem:$0x3FA3] =	sst s3  }
0xc: {  	[smem:$0x3FA4] =	sst s4  }
0xd: {  	[smem:$0x3FA5] =	sst s5  }
0xe: {  	[smem:$0x3FA6] =	sst s6  }
0xf: {  	[smem:$0x3FA7] =	sst s7  }
0x10: {  	[smem:$0x3FA8] =	sst s8  }
0x11: {  	[smem:$0x3FA9] =	sst s9;
	s0 =	simm.s32 @!p0 $0x0  }
0x12: {  	s1 =	sld [smem:$0x3F8F];
	s0 =	simm.s32 @p0 $0x1  }
0x13: {  	[smem:$0x3FAA] =	sst s0;
	s0 =	simm.s32 @!p1 $0x0  }
0x14: {  	s2 =	sld [smem:$0x3F8E];
	s0 =	simm.s32 @p1 $0x1  }
0x15: {  	[smem:$0x3FAB] =	sst s0;
	s0 =	simm.s32 @!p2 $0x0  }
0x16: {  	s3 =	sld [smem:$0x3FDB];
	s0 =	simm.s32 @p2 $0x1  }
0x17: {  	s4 =	simm.s32 $0x1BF5;
	[smem:$0x3FAD] =	sst s0  }
0x18: {  	s0 =	sld [smem:$0x3F90];
	_ =	swait.ge [sflag:s4], $0x0  }
0x19: {  	s7 =	sld [smem:$0x3F91]  }
0x1a: {  	s8 =	sadd.s32 $0xFFFFE003, lr  }
0x1b: {  	s9 =	sadd.s32 $0xFFFFFEF7, lr;
	s5 =	simm.s32 $0xFFFFFFFF;
	p2 =	slt.u32 s8, $0xFFFFF086  }
0x1c: {  	p1 =	slt.u32 s9, $0xF7A;
	s5 =	simm.s32 @!p2 $0x0  }
0x1d: {  	s5 =	simm.s32 @p1 $0x1;
	p0 =	seq.s32 s7, s2  }
0x1e: {  	s7 =	smul.u32 @!p0 $0xF7A, s2;
	p2 =	seq.s32 @!p0 s5, $0x0  }
0x1f: {  	s9 =	smul.u32 $0xF7A, s1;
	s8 =	simm.s32 @!p0 $0x1BF5;
	p2 =	por !p2, p0  }
0x20: {  	[sflag:s8] =	ssyncset.s32 @!p0 $0xFFFFF086;
	s6 =	sadd.s32 @!p0 s3, s7;
	s7 =	simm.s32 @!p0 $0x108  }
0x21: {  	s3 =	sadd.s32 s3, s9;
	s6 =	sadd.s32 @!p0 $0x88, s6;
	s7 =	simm.s32 @p2 $0x1082  }
0x22: {  	[simem:s7], [sflag:s8] =	dma.local @!p0 [hbm:s6], $0xF7A  }
0x23: {  	s9 =	sor.u32 $0xD0000000, s2;
	s6 =	simm.s32 $0x108;
	_ =	swait.ge @!p0 [sflag:s8], $0x0  }
0x24: {  	s3 =	sadd.s32 $0x88, s3;
	s6 =	simm.s32 @!p1 $0x1082;
	[sflag:s4] =	ssyncset.s32 $0xFFFFF086  }
0x25: {  	[simem:s6], [sflag:s4] =	dma.local [hbm:s3], $0xF7A  }
0x26: {  	[smem:$0x3F91] =	sst s1;
	(tag) =	ssettag s2;
	_ =	strace s9  }
0x27: {  	s1 =	sld [smem:$0x3FA1]  }
0x28: {  	s2 =	sld [smem:$0x3FA2]  }
0x29: {  	s4 =	sld [smem:$0x3FA4]  }
0x2a: {  	p0 =	seq.s32 s5, $0x0;
	s5 =	sld [smem:$0x3FA5]  }
0x2b: {  	s6 =	sld [smem:$0x3FA6]  }
0x2c: {  	s7 =	sld [smem:$0x3FA7]  }
0x2d: {  	s3 =	simm.s32 $0x108;
	s8 =	sld [smem:$0x3FA8]  }
0x2e: {  	s3 =	simm.s32 @!p0 $0x1082;
	s9 =	sld [smem:$0x3FA9]  }
0x2f: {  	lr =	sadd.s32 s0, s3;
	s0 =	sld [smem:$0x3FA0]  }
0x30: {  	s3 =	sld [smem:$0x3FA3]  }
0x31: {  	[smem:$0x3FAC] =	sst s10  }
0x32: {  	s10 =	sld [smem:$0x3FAA];
	_ =	sdelay $0x3  }
0x33: {  	p0 =	seq.s32 s10, $0x1;
	s10 =	sld [smem:$0x3FAC];
	_ =	sdelay $0x3  }
0x34: {  	[smem:$0x3FAC] =	sst s10  }
0x35: {  	s10 =	sld [smem:$0x3FAB];
	_ =	sdelay $0x3  }
0x36: {  	p1 =	seq.s32 s10, $0x1;
	s10 =	sld [smem:$0x3FAC];
	_ =	sdelay $0x3  }
0x37: {  	[smem:$0x3FAC] =	sst s10  }
0x38: {  	s10 =	sld [smem:$0x3FAD]  }
0x39: {  	_ = 	snop;
	(pc) =	sbr.ind lr, $3  }
0x3a: {  	_ = 	snop  }
0x3b: {  	_ = 	snop  }
0x3c: {  	p2 =	seq.s32 s10, $0x1;
	s10 =	sld [smem:$0x3FAC]  }
0x3d: {  	_ =	shalt  }
0x3e: {  	_ =	shalt  }
0x3f: {  	_ =	shalt  }
0x40: {  	_ =	shalt  }
0x41: {  	_ =	shalt  }
0x42: {  	_ =	shalt  }
0x43: {  	_ =	shalt  }
0x44: {  	_ =	shalt  }
0x45: {  	_ =	shalt  }
0x46: {  	_ =	shalt  }
0x47: {  	_ =	shalt  }
0x48: {  	_ =	shalt  }
0x49: {  	_ =	shalt  }
0x4a: {  	_ =	shalt  }
0x4b: {  	_ =	shalt  }
0x4c: {  	_ =	shalt  }
0x4d: {  	_ =	shalt  }
0x4e: {  	_ =	shalt  }
0x4f: {  	_ =	shalt  }
0x50: {  	_ =	shalt  }
0x51: {  	_ =	shalt  }
0x52: {  	_ =	shalt  }
0x53: {  	_ =	shalt  }
0x54: {  	_ =	shalt  }
0x55: {  	_ =	shalt  }
0x56: {  	_ =	shalt  }
0x57: {  	_ =	shalt  }
0x58: {  	_ =	shalt  }
0x59: {  	_ =	shalt  }
0x5a: {  	_ =	shalt  }
0x5b: {  	_ =	shalt  }
0x5c: {  	_ =	shalt  }
0x5d: {  	_ =	shalt  }
0x5e: {  	_ =	shalt  }
0x5f: {  	_ =	shalt  }
0x60: {  	_ =	shalt  }
0x61: {  	_ =	shalt  }
0x62: {  	_ =	shalt  }
0x63: {  	_ =	shalt  }
0x64: {  	_ =	shalt  }
0x65: {  	_ =	shalt  }
0x66: {  	_ =	shalt  }
0x67: {  	_ =	shalt  }
0x68: {  	_ =	shalt  }
0x69: {  	_ =	shalt  }
0x6a: {  	_ =	shalt  }
0x6b: {  	_ =	shalt  }
0x6c: {  	_ =	shalt  }
0x6d: {  	_ =	shalt  }
0x6e: {  	_ =	shalt  }
0x6f: {  	_ =	shalt  }
0x70: {  	_ =	shalt  }
0x71: {  	_ =	shalt  }
0x72: {  	_ =	shalt  }
0x73: {  	_ =	shalt  }
0x74: {  	_ =	shalt  }
0x75: {  	_ =	shalt  }
0x76: {  	_ =	shalt  }
0x77: {  	_ =	shalt  }
0x78: {  	_ =	shalt  }
0x79: {  	_ =	shalt  }
0x7a: {  	_ =	shalt  }
0x7b: {  	_ =	shalt  }
0x7c: {  	_ =	shalt  }
0x7d: {  	_ =	shalt  }
0x7e: {  	_ =	shalt  }
0x7f: {  	_ =	shalt  }
0x80: {  	_ =	shalt  }
0x81: {  	_ =	shalt  }
0x82: {  	_ =	shalt  }
0x83: {  	_ =	shalt  }
0x84: {  	_ =	shalt  }
0x85: {  	_ =	shalt  }
0x86: {  	_ =	shalt  }
0x87: {  	_ =	shalt  }
.Lfunc_end0:
.L_simem_size_0:
called_computation.2_lowered:
.L_overlay_start_0:
0x88: {  	s2 =	sld [smem:$0x3FD9]  }
0x89: {  	s3 =	sld [smem:$0x3FFE];
	_ =	sdelay $0x1  }
0x8a: {  	s1 =	srdreg.scid  }
0x8b: {  	s0 =	sand.u32 $0x1, s1  }
0x8c: {  	s14 =	sshll.u32 s0, $0xA;
	s2 =	sadd.s32 s3, s2  }
0x8d: {  	s2 =	sadd.s32 s2, s14  }
0x8e: {  	[smem:$0x3FB8] =	sst s2  }
0x8f: {  	_ = 	snop  }
0x90: {  	s2 =	sld [smem:$0x3FD0];
	_ =	sdelay $0x2  }
0x91: {  	s15 =	simm.s32 $0xB;
	s4 =	simm.s32 $0x10  }
0x92: {  	[smem:s4], [sflag:s15] =	dma.local [hbm:s2], $0x1  }
0x93: {  	_ =	swait.eq [sflag:s15], $0x1  }
0x94: {  	[sflag:s15] =	ssyncset.done $0x0  }
0x95: {  	s16 =	sld [smem:$0x10];
	[sflag:s15] =	ssyncadd.s32 $0xFFFFFFFF  }
0x96: {  	s17 =	sld [smem:$0x11];
	(tm) =	ssettm $0x1  }
0x97: {  	s18 =	sld [smem:$0x3FFB];
	_ =	sdelay $0x3  }
0x98: {  	_ =	strace s18  }
0x99: {  	s4 =	sld [smem:$0x3FFC];
	_ =	sdelay $0x3  }
0x9a: {  	_ =	strace s4  }
0x9b: {  	s4 =	sld [smem:$0x3FFD];
	_ =	sdelay $0x3  }
0x9c: {  	_ =	strace s4  }
0x9d: {  	_ =	strace $0x8FFFFFFF  }
0x9e: {  	s19 =	sld [smem:$0x3FDB];
	_ =	sdelay $0x1  }
0x9f: {  	s5 =	simm.s32 $_scs_section_size  }
0xa0: {  	s6 =	simm.s32 $_size__tile_overlayer_lowered;
	s7 =	simm.s32 $_tile_overlayer_lowered  }
0xa1: {  	s22 =	simm.s32 $0x1BFF;
	s21 =	sshll.u32 s7, $0x1;
	s4 =	sadd.s32 s5, s19  }
0xa2: {  	s8 =	simm.s32 $0x0;
	s20 =	sshll.u32 s6, $0x1;
	s6 =	sadd.s32 s21, s4  }
0xa3: {  	[timem:s8], [sflag:s22] =	dma.local [hbm:s6], s20  }
0xa4: {  	_ =	swait.ge [sflag:s22], s20  }
0xa5: {  	s5 =	ssub.s32 $0x0, s20;
	[sflag:s22] =	ssyncset.done $0x0  }
0xa6: {  	[sflag:s22] =	ssyncadd.s32 s5;
	_ =	sdelay $0x1  }
0xa7: {  	s23 =	simm.s32 $0x1B8B  }
0xa8: {  	_ =	swait.ge [sflag:s23], $0x1  }
0xa9: {  	[sflag:s23] =	ssyncset.done $0x0  }
0xaa: {  	s25 =	simm.s32 $0x1B8E;
	s24 =	sld [smem:$0x3FFE];
	[sflag:s23] =	ssyncadd.s32 $0xFFFFFFFF  }
0xab: {  	s26 =	simm.s32 $execute0_lowered;
	[smem:$0x3FD2] =	sst s25  }
0xac: {  	s6 =	sshll.u32 s26, $0x1;
	_ =	strace $0x80000046;
	[dreg:$0x1] =	wrdreg $0xFFFFFFFF  }
0xad: {  	s28 =	simm.s32 $_size_execute0_lowered;
	s4 =	sadd.s32 s4, s6;
	[dreg:$0x0] =	wrdreg $0x0  }
0xae: {  	s6 =	sshll.u32 s28, $0x1;
	[dreg:$0x2] =	wrdreg s4  }
0xaf: {  	[dreg:$0x3] =	wrdreg s6  }
0xb0: {  	[dreg:$0x4] =	wrdreg $0xC0  }
0xb1: {  	_ =	task [dreg:s8], $0x5FFFF  }
0xb2: {  	[dreg:$0x1] =	wrdreg $0xFFFFFFFF  }
0xb3: {  	[dreg:$0x0] =	wrdreg $0x60  }
0xb4: {  	[dreg:$0x2] =	wrdreg s17  }
0xb5: {  	[dreg:$0x3] =	wrdreg s16  }
0xb6: {  	[dreg:$0x4] =	wrdreg s24  }
0xb7: {  	[dreg:$0x5] =	wrdreg $0x9  }
0xb8: {  	_ =	task.clear_ibuf [dreg:s8], $0x6FFFF;
	_ =	strace $0x90000046  }
0xb9: {  	s29 =	simm.s32 $0x9;
	_ =	strace $0x80000048  }
0xba: {  	_ =	swait.ge [sflag:s29], $0x1  }
0xbb: {  	[sflag:s29] =	ssyncadd.s32 $0xFFFFFFFF  }
0xbc: {  	_ =	strace $0x90000048  }
0xbd: {  	_ =	sfence  }
0xbe: {  	s30 =	sld [smem:$0x0];
	_ =	sdelay $0x2  }
0xbf: {  	s31 =	sshll.u32 s1, $0xD;
	s1 =	sshrl.u32 s1, $0x2  }
0xc0: {  	s3 =	sand.u32 $0x4000, s31;
	s1 =	sadd.s32 s1, s30  }
0xc1: {  	s0 =	sor.u32 s3, s0;
	s1 =	sshll.u32 s1, $0x11  }
0xc2: {  	s0 =	sor.u32 s1, s0  }
0xc3: {  	s0 =	sadd.s32 $0x8F2B, s0  }
0xc4: {  	[sflag:s0] =	ssyncadd.remote.s32 $0x1  }
0xc5: {  	_ =	sfence.sel $0xFFFF  }
0xc6: {  	[dreg:$0x0] =	wrdreg $0xFFFFFFFF;
	(pc) =	sbr.abs _section_cstart, $3  }
0xc7: {  	[dreg:$0x1] =	wrdreg $0xFFFFFFFF  }
0xc8: {  	_ =	task.clear_ibuf [dreg:s8], $0x2FFFF;
	_ =	strace $0x9FFFFFFF  }
0xc9: {  	(tm) =	ssettm $0x7FFFFFFF  }
tec
execute0_lowered:
.L_overlay_start_1:
0x0: {  	(tag) =	ssettag $0x1  }
0x1: {  	s1 =	rddreg [dreg:$0x0]  }
0x2: {  	s2 =	rddreg [dreg:$0x1]  }
0x3: {  	s7 =	rddreg [dreg:$0x2]  }
0x4: {  	s0 =	rddreg [dreg:$0x3];
	s3 =	simm.s32 $0x0;
	s4 =	srdreg.scid  }
0x5: {  	s12 =	simm.s32 $0x50;
	s13 =	simm.s32 $0x100;
	s14 =	simm.s32 $0x2900  }
0x6: {  	s15 =	simm.s32 $0x1;
	s16 =	simm.s32 $0x0;
	[smem:$0x7FF] =	sst s3  }
0x7: {  	s8 =	sand.u32 $0x1, s4;
	s5 =	sadd.s32 $0xB400, s7;
	s4 =	stileid.u32  }
0x8: {  	s6 =	sadd.s32 $0x1600, s7;
	s7 =	sadd.s32 $0x15200, s7;
	s9 =	ssub.s32 $0x2, s8  }
0x9: {  	_ =	strace $0x80000047;
	s11 =	sshll.u32 s4, $0x1;
	s10 =	sshrl.u32 s9, $0x1  }
0xa: {  	s8 =	sor.u32 s8, s11;
	s11 =	simm.s32 $0x80;
	s9 =	ssub.s32 s9, s10  }
0xb: {  	s8 =	smul.u32 $0x2710, s8;
	s10 =	simm.s32 $0x2;
	s9 =	smax.u32 s9, $0x1  }
.LBB2_1:
0xc: {  	s17 =	simm.s32 $0x0  }
.LBB2_2:
0xd: {  	s18 =	smul.u32 $0x50, s17;
	_ =	sdelay $0x1  }
0xe: {  	s18 =	sadd.s32 s8, s18  }
0xf: {  	s19 =	sshrl.u32 s18, $0x3  }
0x10: {  	s21 =	simm.s32 $0x0;
	s20 =	sadd.s32 s5, s19  }
0x11: {  	[tilespmem:s21], [sflag:$0x2] =	stream.linear.gather [hbm4b:s20+s21], $0x50, $0x38;
	[tilespmem:$0x5100] =	vst v63  }
0x12: {  	_ =	swait.ge [sflag:s10], $0x50  }
0x13: {  	[sflag:s10] =	ssyncset.done $0x0  }
0x14: {  	s19 =	sadd.s32 s6, s19;
	[sflag:s10] =	ssyncadd.s32 $0xFFFFFFB0  }
0x15: {  	[tilespmem:s11], [sflag:$0x2] =	stream.linear.gather [hbm4b:s19+s21], $0x50, $0x38;
	[tilespmem:$0x5100] =	vst v63  }
0x16: {  	_ =	swait.ge [sflag:s10], $0x50  }
0x17: {  	[sflag:s10] =	ssyncset.done $0x0  }
0x18: {  	[sflag:s10] =	ssyncadd.s32 $0xFFFFFFB0  }
0x19: {  	[tilespmem:s13], [sflag:$0x1] =	stream.indirect.gather [hbm4b:s1+s12], $0x80, s21, s12, $0xb8;
	[tilespmem:$0x5100] =	vst v63  }
0x1a: {  	_ = 	snop  }
0x1b: {  	[tilespmem:s14], [sflag:$0x1] =	stream.indirect.gather [hbm4b:s2+s12], $0x80, s11, s12, $0xb8;
	[tilespmem:$0x5100] =	vst v63  }
0x1c: {  	_ =	swait.ge [sflag:s15], $0x2800  }
0x1d: {  	[sflag:s15] =	ssyncset.done $0x0  }
0x1e: {  	[sflag:s15] =	ssyncadd.s32 $0xFFFFD800  }
0x1f: {  	_ =	swait.ge [sflag:s15], $0x2800  }
0x20: {  	[sflag:s15] =	ssyncset.done $0x0  }
0x21: {  	s19 =	simm.s32 $0x0;
	[sflag:s15] =	ssyncadd.s32 $0xFFFFD800  }
0x22: {  	v7 =	vld [tilespmem:s19+$0x2900]  }
0x23: {  	v11 =	vld [tilespmem:s19+$0x2910]  }
0x24: {  	v5 =	vld [tilespmem:s19+$0x2920]  }
0x25: {  	v4 =	vld [tilespmem:s19+$0x2930]  }
0x26: {  	v3 =	vld [tilespmem:s19+$0x2940]  }
0x27: {  	v2 =	vld [tilespmem:s19+$0x2950]  }
0x28: {  	v1 =	vld [tilespmem:s19+$0x2960]  }
0x29: {  	v0 =	vld [tilespmem:s19+$0x2970]  }
0x2a: {  	v12 =	vld [tilespmem:s19+$0x100]  }
0x2b: {  	v13 =	vld [tilespmem:s19+$0x110]  }
0x2c: {  	v10 =	vld [tilespmem:s19+$0x120]  }
0x2d: {  	v9 =	vld [tilespmem:s19+$0x130]  }
0x2e: {  	v8 =	vld [tilespmem:s19+$0x140]  }
0x2f: {  	v6 =	vld [tilespmem:s19+$0x150];
	v12 =	vadd.f32 v7, v12  }
0x30: {  	s20 =	simm.s32 $0x200;
	v11 =	vadd.f32 v11, v13;
	v7 =	vld [tilespmem:s19+$0x160]  }
.LBB2_3:
0x31: {  	s21 =	sshra.s32 s20, $0x2;
	p0 =	sne.s32 s20, $0x9E00;
	[tilespmem:s19+$0x100] =	vst v12;
	v5 =	vadd.f32 v5, v10;
	v10 =	vld [tilespmem:s19+$0x170]  }
0x32: {  	v12 =	vld [tilespmem:s21+$0x2900];
	[tilespmem:s19+$0x110] =	vst v11;
	v4 =	vadd.f32 v4, v9  }
0x33: {  	v11 =	vld [tilespmem:s21+$0x2910];
	[tilespmem:s19+$0x120] =	vst v5;
	v3 =	vadd.f32 v3, v8  }
0x34: {  	v5 =	vld [tilespmem:s21+$0x2920];
	[tilespmem:s19+$0x130] =	vst v4;
	v2 =	vadd.f32 v2, v6  }
0x35: {  	v4 =	vld [tilespmem:s21+$0x2930];
	[tilespmem:s19+$0x140] =	vst v3;
	v1 =	vadd.f32 v1, v7  }
0x36: {  	v3 =	vld [tilespmem:s21+$0x2940];
	[tilespmem:s19+$0x150] =	vst v2;
	v0 =	vadd.f32 v0, v10  }
0x37: {  	v2 =	vld [tilespmem:s21+$0x2950];
	[tilespmem:s19+$0x160] =	vst v1  }
0x38: {  	v1 =	vld [tilespmem:s21+$0x2960];
	[tilespmem:s19+$0x170] =	vst v0;
	s19 =	smov.u32 s21  }
0x39: {  	v0 =	vld [tilespmem:s19+$0x2970]  }
0x3a: {  	v6 =	vld [tilespmem:s19+$0x100]  }
0x3b: {  	v7 =	vld [tilespmem:s19+$0x110]  }
.Ltmp0:
0x3c: {  	v10 =	vld [tilespmem:s19+$0x120];
	(pc) =	sbr.rel @p0 .LBB2_3-.Ltmp0, $4  }
0x3d: {  	v9 =	vld [tilespmem:s19+$0x130]  }
0x3e: {  	v8 =	vld [tilespmem:s19+$0x140]  }
0x3f: {  	v12 =	vadd.f32 v12, v6;
	v6 =	vld [tilespmem:s19+$0x150]  }
0x40: {  	s20 =	sadd.s32 $0x200, s20;
	v11 =	vadd.f32 v11, v7;
	v7 =	vld [tilespmem:s19+$0x160]  }
0x41: {  	[tilespmem:s19+$0x100] =	vst v12;
	v5 =	vadd.f32 v5, v10;
	v63 =	vld [tilespmem:s19+$0x170]  }
0x42: {  	[tilespmem:s19+$0x110] =	vst v11;
	v4 =	vadd.f32 v4, v9  }
0x43: {  	[tilespmem:s19+$0x120] =	vst v5;
	v3 =	vadd.f32 v3, v8  }
0x44: {  	[tilespmem:s19+$0x130] =	vst v4;
	v2 =	vadd.f32 v2, v6  }
0x45: {  	[tilespmem:s19+$0x140] =	vst v3;
	v1 =	vadd.f32 v1, v7  }
0x46: {  	s17 =	sadd.s32 $0x1, s17;
	[tilespmem:s19+$0x150] =	vst v2;
	v0 =	vadd.f32 v0, v63  }
0x47: {  	s18 =	sshll.u32 s18, $0x4;
	p0 =	sne.s32 s17, $0x7D;
	[tilespmem:s19+$0x160] =	vst v1  }
.Ltmp1:
0x48: {  	s18 =	sadd.s32 s7, s18;
	[tilespmem:s19+$0x170] =	vst v0;
	(pc) =	sbr.rel @p0 .LBB2_2-.Ltmp1, $4  }
0x49: {  	[hbm4b:s18+s3] =	stream.linear.scatter [tilespmem:s13], [sflag:$0x2], $0x2800, $0x38;
	[tilespmem:$0x5100] =	vst v63  }
0x4a: {  	_ =	swait.ge [sflag:s10], $0x2800  }
0x4b: {  	[sflag:s10] =	ssyncset.done $0x0  }
0x4c: {  	[sflag:s10] =	ssyncadd.s32 $0xFFFFD800  }
0x4d: {  	s16 =	sadd.s32 $0x1, s16  }
0x4e: {  	p0 =	sne.s32 s16, s9  }
.Ltmp2:
0x4f: {  	_ = 	snop;
	(pc) =	sbr.rel @p0 .LBB2_1-.Ltmp2, $1  }
0x50: {  	_ =	sdelay $0x3  }
0x51: {  	_ =	sfence.sel $0x180000  }
0x52: {  	[bflag:$0x0] =	sbarrier.arrive $0xFFFF  }
0x53: {  	p0 =	sne.s32 s4, $0x0;
	_ =	strace $0x90000047  }
0x54: {  	s0 =	sadd.s32 @!p0 $0x100000, s0;
	[bflag:$0x2] =	sbarrier.arrive $0xFFFF  }
0x55: {  	[sflag:s0] =	ssyncadd.tile.s32 @!p0 $0x1;
	_ =	shalt  }
.Lfunc_end2:
_tile_overlayer_lowered:
.L_overlay_start_2:
0x56: {  	(tag) =	ssettag $0x2  }
0x57: {  	s0 =	rddreg [dreg:$0x0];
	s2 =	stileid.u32  }
0x58: {  	s1 =	rddreg [dreg:$0x1];
	p0 =	sne.s32 s2, $0x0  }
0x59: {  	s3 =	rddreg [dreg:$0x2];
	[bflag:$0x3] =	sbarrier.arrive $0xFFFF;
	s2 =	simm.s32 @!p0 $0x1C02  }
0x5a: {  	[timem:s3], [sflag:s2] =	dma.local @!p0 [hbm:s0], s1  }
0x5b: {  	s0 =	simm.s32 @!p0 $0x2  }
0x5c: {  	_ =	swait.ge @!p0 [sflag:s0], s1  }
0x5d: {  	s1 =	ssub.s32 @!p0 $0x0, s1;
	[sflag:s0] =	ssyncset.done @!p0 $0x0  }
0x5e: {  	[sflag:s0] =	ssyncadd.s32 @!p0 s1  }
0x5f: {  	[bflag:$0x3] =	sbarrier.arrive $0xFFFF  }
0x60: {  	_ =	shalt  }

// kernel: scatter_offload_async_start.1
scs
__scs_entry_jumppad:
0x0: {  	(pc) =	sbr.rel $0x88, $3  }
0x1: {  	(tag) =	ssettag $0x0;
	lr =	simm.s32 $0x1  }
0x2: {  	[smem:$0x3F91] =	sst lr;
	_ =	strace $0xD0000000  }
0x3: {  	_ = 	snop  }
0x4: {  	_ = 	snop  }
0x5: {  	_ = 	snop  }
0x6: {  	_ = 	snop  }
0x7: {  	_ = 	snop  }
__scs_overlays_trampoline_lowered:
0x8: {  	[smem:$0x3FA0] =	sst s0  }
0x9: {  	[smem:$0x3FA1] =	sst s1  }
0xa: {  	[smem:$0x3FA2] =	sst s2  }
0xb: {  	[smem:$0x3FA3] =	sst s3  }
0xc: {  	[smem:$0x3FA4] =	sst s4  }
0xd: {  	[smem:$0x3FA5] =	sst s5  }
0xe: {  	[smem:$0x3FA6] =	sst s6  }
0xf: {  	[smem:$0x3FA7] =	sst s7  }
0x10: {  	[smem:$0x3FA8] =	sst s8  }
0x11: {  	[smem:$0x3FA9] =	sst s9;
	s0 =	simm.s32 @!p0 $0x0  }
0x12: {  	s1 =	sld [smem:$0x3F8F];
	s0 =	simm.s32 @p0 $0x1  }
0x13: {  	[smem:$0x3FAA] =	sst s0;
	s0 =	simm.s32 @!p1 $0x0  }
0x14: {  	s2 =	sld [smem:$0x3F8E];
	s0 =	simm.s32 @p1 $0x1  }
0x15: {  	[smem:$0x3FAB] =	sst s0;
	s0 =	simm.s32 @!p2 $0x0  }
0x16: {  	s3 =	sld [smem:$0x3FDB];
	s0 =	simm.s32 @p2 $0x1  }
0x17: {  	s4 =	simm.s32 $0x1BF5;
	[smem:$0x3FAD] =	sst s0  }
0x18: {  	s0 =	sld [smem:$0x3F90];
	_ =	swait.ge [sflag:s4], $0x0  }
0x19: {  	s7 =	sld [smem:$0x3F91]  }
0x1a: {  	s8 =	sadd.s32 $0xFFFFE003, lr  }
0x1b: {  	s9 =	sadd.s32 $0xFFFFFEF7, lr;
	s5 =	simm.s32 $0xFFFFFFFF;
	p2 =	slt.u32 s8, $0xFFFFF086  }
0x1c: {  	p1 =	slt.u32 s9, $0xF7A;
	s5 =	simm.s32 @!p2 $0x0  }
0x1d: {  	s5 =	simm.s32 @p1 $0x1;
	p0 =	seq.s32 s7, s2  }
0x1e: {  	s7 =	smul.u32 @!p0 $0xF7A, s2;
	p2 =	seq.s32 @!p0 s5, $0x0  }
0x1f: {  	s9 =	smul.u32 $0xF7A, s1;
	s8 =	simm.s32 @!p0 $0x1BF5;
	p2 =	por !p2, p0  }
0x20: {  	[sflag:s8] =	ssyncset.s32 @!p0 $0xFFFFF086;
	s6 =	sadd.s32 @!p0 s3, s7;
	s7 =	simm.s32 @!p0 $0x108  }
0x21: {  	s3 =	sadd.s32 s3, s9;
	s6 =	sadd.s32 @!p0 $0x88, s6;
	s7 =	simm.s32 @p2 $0x1082  }
0x22: {  	[simem:s7], [sflag:s8] =	dma.local @!p0 [hbm:s6], $0xF7A  }
0x23: {  	s9 =	sor.u32 $0xD0000000, s2;
	s6 =	simm.s32 $0x108;
	_ =	swait.ge @!p0 [sflag:s8], $0x0  }
0x24: {  	s3 =	sadd.s32 $0x88, s3;
	s6 =	simm.s32 @!p1 $0x1082;
	[sflag:s4] =	ssyncset.s32 $0xFFFFF086  }
0x25: {  	[simem:s6], [sflag:s4] =	dma.local [hbm:s3], $0xF7A  }
0x26: {  	[smem:$0x3F91] =	sst s1;
	(tag) =	ssettag s2;
	_ =	strace s9  }
0x27: {  	s1 =	sld [smem:$0x3FA1]  }
0x28: {  	s2 =	sld [smem:$0x3FA2]  }
0x29: {  	s4 =	sld [smem:$0x3FA4]  }
0x2a: {  	p0 =	seq.s32 s5, $0x0;
	s5 =	sld [smem:$0x3FA5]  }
0x2b: {  	s6 =	sld [smem:$0x3FA6]  }
0x2c: {  	s7 =	sld [smem:$0x3FA7]  }
0x2d: {  	s3 =	simm.s32 $0x108;
	s8 =	sld [smem:$0x3FA8]  }
0x2e: {  	s3 =	simm.s32 @!p0 $0x1082;
	s9 =	sld [smem:$0x3FA9]  }
0x2f: {  	lr =	sadd.s32 s0, s3;
	s0 =	sld [smem:$0x3FA0]  }
0x30: {  	s3 =	sld [smem:$0x3FA3]  }
0x31: {  	[smem:$0x3FAC] =	sst s10  }
0x32: {  	s10 =	sld [smem:$0x3FAA];
	_ =	sdelay $0x3  }
0x33: {  	p0 =	seq.s32 s10, $0x1;
	s10 =	sld [smem:$0x3FAC];
	_ =	sdelay $0x3  }
0x34: {  	[smem:$0x3FAC] =	sst s10  }
0x35: {  	s10 =	sld [smem:$0x3FAB];
	_ =	sdelay $0x3  }
0x36: {  	p1 =	seq.s32 s10, $0x1;
	s10 =	sld [smem:$0x3FAC];
	_ =	sdelay $0x3  }
0x37: {  	[smem:$0x3FAC] =	sst s10  }
0x38: {  	s10 =	sld [smem:$0x3FAD]  }
0x39: {  	_ = 	snop;
	(pc) =	sbr.ind lr, $3  }
0x3a: {  	_ = 	snop  }
0x3b: {  	_ = 	snop  }
0x3c: {  	p2 =	seq.s32 s10, $0x1;
	s10 =	sld [smem:$0x3FAC]  }
0x3d: {  	_ =	shalt  }
0x3e: {  	_ =	shalt  }
0x3f: {  	_ =	shalt  }
0x40: {  	_ =	shalt  }
0x41: {  	_ =	shalt  }
0x42: {  	_ =	shalt  }
0x43: {  	_ =	shalt  }
0x44: {  	_ =	shalt  }
0x45: {  	_ =	shalt  }
0x46: {  	_ =	shalt  }
0x47: {  	_ =	shalt  }
0x48: {  	_ =	shalt  }
0x49: {  	_ =	shalt  }
0x4a: {  	_ =	shalt  }
0x4b: {  	_ =	shalt  }
0x4c: {  	_ =	shalt  }
0x4d: {  	_ =	shalt  }
0x4e: {  	_ =	shalt  }
0x4f: {  	_ =	shalt  }
0x50: {  	_ =	shalt  }
0x51: {  	_ =	shalt  }
0x52: {  	_ =	shalt  }
0x53: {  	_ =	shalt  }
0x54: {  	_ =	shalt  }
0x55: {  	_ =	shalt  }
0x56: {  	_ =	shalt  }
0x57: {  	_ =	shalt  }
0x58: {  	_ =	shalt  }
0x59: {  	_ =	shalt  }
0x5a: {  	_ =	shalt  }
0x5b: {  	_ =	shalt  }
0x5c: {  	_ =	shalt  }
0x5d: {  	_ =	shalt  }
0x5e: {  	_ =	shalt  }
0x5f: {  	_ =	shalt  }
0x60: {  	_ =	shalt  }
0x61: {  	_ =	shalt  }
0x62: {  	_ =	shalt  }
0x63: {  	_ =	shalt  }
0x64: {  	_ =	shalt  }
0x65: {  	_ =	shalt  }
0x66: {  	_ =	shalt  }
0x67: {  	_ =	shalt  }
0x68: {  	_ =	shalt  }
0x69: {  	_ =	shalt  }
0x6a: {  	_ =	shalt  }
0x6b: {  	_ =	shalt  }
0x6c: {  	_ =	shalt  }
0x6d: {  	_ =	shalt  }
0x6e: {  	_ =	shalt  }
0x6f: {  	_ =	shalt  }
0x70: {  	_ =	shalt  }
0x71: {  	_ =	shalt  }
0x72: {  	_ =	shalt  }
0x73: {  	_ =	shalt  }
0x74: {  	_ =	shalt  }
0x75: {  	_ =	shalt  }
0x76: {  	_ =	shalt  }
0x77: {  	_ =	shalt  }
0x78: {  	_ =	shalt  }
0x79: {  	_ =	shalt  }
0x7a: {  	_ =	shalt  }
0x7b: {  	_ =	shalt  }
0x7c: {  	_ =	shalt  }
0x7d: {  	_ =	shalt  }
0x7e: {  	_ =	shalt  }
0x7f: {  	_ =	shalt  }
0x80: {  	_ =	shalt  }
0x81: {  	_ =	shalt  }
0x82: {  	_ =	shalt  }
0x83: {  	_ =	shalt  }
0x84: {  	_ =	shalt  }
0x85: {  	_ =	shalt  }
0x86: {  	_ =	shalt  }
0x87: {  	_ =	shalt  }
.Lfunc_end0:
.L_simem_size_0:
called_computation.1_lowered:
.L_overlay_start_0:
0x88: {  	s0 =	sld [smem:$0x3FD9]  }
0x89: {  	s1 =	sld [smem:$0x3FFE];
	_ =	sdelay $0x3  }
0x8a: {  	s0 =	sadd.s32 s1, s0  }
0x8b: {  	[smem:$0x3FB8] =	sst s0  }
0x8c: {  	_ = 	snop  }
0x8d: {  	(tm) =	ssettm $0x1  }
0x8e: {  	s15 =	sld [smem:$0x3FFB];
	_ =	sdelay $0x3  }
0x8f: {  	_ =	strace s15  }
0x90: {  	s0 =	sld [smem:$0x3FFC];
	_ =	sdelay $0x3  }
0x91: {  	_ =	strace s0  }
0x92: {  	s0 =	sld [smem:$0x3FFD];
	_ =	sdelay $0x3  }
0x93: {  	_ =	strace s0  }
0x94: {  	_ =	strace $0x8FFFFFFF  }
0x95: {  	s16 =	sld [smem:$0x3FDB];
	_ =	sdelay $0x1  }
0x96: {  	s17 =	simm.s32 $_scs_section_size  }
0x97: {  	s2 =	simm.s32 $_size__tile_overlayer_lowered;
	s3 =	simm.s32 $_tile_overlayer_lowered  }
0x98: {  	s20 =	simm.s32 $0x1BFF;
	s19 =	sshll.u32 s3, $0x1;
	s0 =	sadd.s32 s17, s16  }
0x99: {  	s4 =	simm.s32 $0x0;
	s18 =	sshll.u32 s2, $0x1;
	s2 =	sadd.s32 s19, s0  }
0x9a: {  	[timem:s4], [sflag:s20] =	dma.local [hbm:s2], s18  }
0x9b: {  	_ =	swait.ge [sflag:s20], s18  }
0x9c: {  	s1 =	ssub.s32 $0x0, s18;
	[sflag:s20] =	ssyncset.done $0x0  }
0x9d: {  	[sflag:s20] =	ssyncadd.s32 s1;
	_ =	sdelay $0x1  }
0x9e: {  	s21 =	simm.s32 $0x1B8B  }
0x9f: {  	_ =	swait.ge [sflag:s21], $0x1  }
0xa0: {  	[sflag:s21] =	ssyncset.done $0x0  }
0xa1: {  	s23 =	simm.s32 $0x1B8E;
	s22 =	sld [smem:$0x3FFE];
	[sflag:s21] =	ssyncadd.s32 $0xFFFFFFFF  }
0xa2: {  	s24 =	simm.s32 $execute0_lowered;
	[smem:$0x3FD2] =	sst s23  }
0xa3: {  	s2 =	sshll.u32 s24, $0x1;
	_ =	strace $0x80000049;
	[dreg:$0x1] =	wrdreg $0xFFFFFFFF  }
0xa4: {  	s25 =	simm.s32 $_size_execute0_lowered;
	s0 =	sadd.s32 s0, s2;
	[dreg:$0x0] =	wrdreg $0x0  }
0xa5: {  	s2 =	sshll.u32 s25, $0x1;
	[dreg:$0x2] =	wrdreg s0  }
0xa6: {  	[dreg:$0x3] =	wrdreg s2  }
0xa7: {  	[dreg:$0x4] =	wrdreg $0xC0  }
0xa8: {  	_ =	task [dreg:s4], $0x5FFFF  }
0xa9: {  	[dreg:$0x1] =	wrdreg $0xFFFFFFFF  }
0xaa: {  	[dreg:$0x0] =	wrdreg $0x60  }
0xab: {  	[dreg:$0x2] =	wrdreg s22  }
0xac: {  	[dreg:$0x3] =	wrdreg $0xA  }
0xad: {  	_ =	task.clear_ibuf [dreg:s4], $0x4FFFF;
	_ =	strace $0x90000049  }
0xae: {  	s26 =	simm.s32 $0xA;
	_ =	strace $0x8000004B  }
0xaf: {  	_ =	swait.ge [sflag:s26], $0x1  }
0xb0: {  	[sflag:s26] =	ssyncadd.s32 $0xFFFFFFFF  }
0xb1: {  	_ =	strace $0x9000004B  }
0xb2: {  	_ =	sfence  }
0xb3: {  	s28 =	sld [smem:$0x0];
	_ =	sdelay $0x1  }
0xb4: {  	s29 =	srdreg.scid  }
0xb5: {  	s30 =	sshll.u32 s29, $0xD;
	s31 =	sshrl.u32 s29, $0x2  }
0xb6: {  	s1 =	sand.u32 $0x1, s29;
	s2 =	sand.u32 $0x4000, s30;
	s0 =	sadd.s32 s31, s28  }
0xb7: {  	s1 =	sor.u32 s2, s1;
	s0 =	sshll.u32 s0, $0x11  }
0xb8: {  	s0 =	sor.u32 s0, s1  }
0xb9: {  	s0 =	sadd.s32 $0x8F2B, s0  }
0xba: {  	[sflag:s0] =	ssyncadd.remote.s32 $0x1  }
0xbb: {  	_ =	sfence.sel $0xFFFF  }
0xbc: {  	[dreg:$0x0] =	wrdreg $0xFFFFFFFF;
	(pc) =	sbr.abs _section_cstart, $3  }
0xbd: {  	[dreg:$0x1] =	wrdreg $0xFFFFFFFF  }
0xbe: {  	_ =	task.clear_ibuf [dreg:s4], $0x2FFFF;
	_ =	strace $0x9FFFFFFF  }
0xbf: {  	(tm) =	ssettm $0x7FFFFFFF  }
tec
execute0_lowered:
.L_overlay_start_1:
0x0: {  	(tag) =	ssettag $0x1  }
0x1: {  	s0 =	rddreg [dreg:$0x0];
	_ =	strace $0x8000004A;
	s15 =	stileid.u32  }
0x2: {  	s2 =	simm.s32 $0x1;
	s1 =	smin.u32 s15, $0x8;
	s3 =	sshll.u32 s15, $0x1  }
0x3: {  	v1 =	vimm.s32 $0xFFFFFFFF;
	[sflag:s2] =	ssyncpa.u1 $0x0;
	s1 =	sadd.s32 s1, s3  }
0x4: {  	p0 =	slt.u32 s15, $0x8;
	[tilespmem:$0x10] =	vst v1;
	s4 =	smul.u32 $0x1F40, s1;
	s1 =	simm.s32 $0x5DC0  }
0x5: {  	v0 =	vimm.f32 $0.0e+00;
	[tilespmem:$0x20] =	vst v1;
	s1 =	simm.s32 @!p0 $0x3E80  }
0x6: {  	[tilespmem:$0x30] =	vst v0;
	s1 =	sadd.s32 s1, s4  }
0x7: {  	[tilespmem:$0x40] =	vst v0;
	s5 =	smin.u32 s1, $0x4E200  }
0x8: {  	s7 =	simm.s32 $0x2;
	s8 =	simm.s32 $0x8;
	[tilespmem:$0x50] =	vst v0;
	s9 =	ssub.s32 s5, s4  }
0x9: {  	s31 =	simm.s32 $0x9;
	s16 =	simm.s32 $0x0;
	[tilespmem:$0x60] =	vst v1;
	p0 =	sgt.s32 s9, $0x0  }
0xa: {  	s17 =	simm.s32 $0xF0;
	s18 =	simm.s32 $0xFFFFFFFF;
	[tilespmem:$0x70] =	vst v1;
	s9 =	simm.s32 @!p0 $0x0  }
0xb: {  	s19 =	simm.s32 $0xFFFFC280;
	s20 =	simm.s32 $0xFFFFFFFE;
	[tilespmem:$0x80] =	vst v1;
	s30 =	smulhi.u32 $0x10624DD3, s9  }
0xc: {  	s21 =	simm.s32 $0xF;
	s25 =	simm.s32 $0x0;
	s24 =	simm.s32 $0x0;
	v1 =	vimm.s32 $0x0;
	[tilespmem:$0xB0] =	vst v0  }
0xd: {  	s6 =	sadd.s32 $0x9ECE00, s0;
	s15 =	sshllo.u32 s15, $0x1;
	[tilespmem:$0x90] =	vst v1;
	s10 =	sshrl.u32 s30, $0x9  }
0xe: {  	[tilespmem:$0xA0] =	vst v1;
	[sflag:s7] =	ssyncpa.u1 $0x0;
	s7 =	simm.s32 $0x7;
	s11 =	smul.u32 $0x1F40, s10  }
.Ltmp0:
0xf: {  	s13 =	sor.u32 $0x80, s3;
	[sflag:s7] =	ssyncpa.u1 $0x0;
	(pc) =	sbr.rel .LBB2_1-.Ltmp0, $4  }
0x10: {  	s14 =	sor.u32 $0x81, s3;
	[sflag:s8] =	ssyncpa.u1 $0x0;
	p0 =	sne.s32 s9, s11  }
0x11: {  	s23 =	smov.u32 s4;
	s1 =	sadd.s32 $0x1600, s0;
	s2 =	simm.s32 @!p0 $0x0  }
0x12: {  	vm0 =	vmmov $0xffff;
	v2 =	vlaneseq.u32;
	[sflag:s31] =	ssyncpa.u1 $0x0;
	s9 =	sadd.s32 $0x9F6C00, s0;
	s10 =	sadd.s32 s2, s10  }
0x13: {  	vm1 =	vmxor vm1, vm1;
	vm2 =	vmmov $0x1;
	vm3 =	vcmask $0x3F3C;
	p0 =	por $0x0, $0x0;
	s11 =	sadd.s32 $0x1, s10;
	s12 =	sadd.s32 $0x2, s10  }
.LBB2_9:
0x14: {  	p1 =	slt.u32 s24, $0x3  }
0x15: {  	s0 =	simm.s32 @!p1 $0x2  }
0x16: {  	_ =	swait.ge @!p1 [sflag:s0], $0x1F40  }
0x17: {  	[sflag:s0] =	ssyncset.done @!p1 $0x0  }
0x18: {  	[sflag:s0] =	ssyncadd.s32 @!p1 $0xFFFFE0C0;
	s0 =	simm.s32 @!p1 $0x9  }
0x19: {  	_ =	swait.ge @!p1 [sflag:s0], $0x10  }
0x1a: {  	[sflag:s0] =	ssyncset.done @!p1 $0x0  }
0x1b: {  	[sflag:s0] =	ssyncadd.s32 @!p1 $0xFFFFFFF0;
	p1 =	sne.s32 s24, s12  }
.Ltmp1:
0x1c: {  	s2 =	sadd.s32 $0x1F40, s23;
	(pc) =	sbr.rel @!p1 .LBB2_10-.Ltmp1, $4  }
0x1d: {  	s22 =	smov.u32 s4;
	s31 =	sadd.s32 $0x1, s24;
	s17 =	sadd.s32 $0x1F40, s17  }
0x1e: {  	s18 =	sadd.s32 $0x1, s18;
	s25 =	smov.u32 s23;
	p2 =	slt.s32 s2, s5  }
0x1f: {  	p0 =	por !p0, !p0;
	s19 =	sadd.s32 $0x1F40, s19;
	s22 =	smov.u32 @p2 s2  }
0x20: {  	s20 =	sadd.s32 $0x1, s20;
	s23 =	smov.u32 s22;
	s24 =	smov.u32 s31  }
.LBB2_1:
0x21: {  	p1 =	sge.u32 s24, s10  }
0x22: {  	s0 =	smulhi.u32 @!p1 $0xAAAAAAAB, s24;
	_ =	sdelay $0x1  }
0x23: {  	s0 =	sshrl.u32 @!p1 s0, $0x1  }
0x24: {  	s0 =	smul.u32 @!p1 $0x3, s0;
	_ =	sdelay $0x1  }
0x25: {  	s0 =	ssub.s32 @!p1 s24, s0  }
0x26: {  	s0 =	smul.u32 @!p1 $0x7D00, s0;
	_ =	sdelay $0x1  }
0x27: {  	s2 =	sshrl.u32 @!p1 s23, $0x3;
	s0 =	sshrl.u32 @!p1 s0, $0x2  }
0x28: {  	s22 =	sand.u32 @!p1 $0x7, s23;
	s2 =	sadd.s32 @!p1 s6, s2;
	s0 =	sadd.s32 @!p1 $0x100, s0  }
0x29: {  	[tilespmem:s0], [sflag:$0x7] =	stream.linear.gather @!p1 [hbm4b:s2+s22], $0x1F40, $0x38;
	[tilespmem:$0x11A60] =	vst v63  }
0x2a: {  	s0 =	sadd.s32 $0xFFFFFFFF, s24  }
0x2b: {  	p1 =	sge.u32 s0, s10  }
.Ltmp2:
0x2c: {  	_ = 	snop;
	(pc) =	sbr.rel @p1 .LBB2_5-.Ltmp2, $1  }
0x2d: {  	_ =	sdelay $0x3  }
0x2e: {  	s2 =	smulhi.u32 $0xAAAAAAAB, s0;
	_ =	sdelay $0x1  }
0x2f: {  	s2 =	sshrl.u32 s2, $0x1  }
0x30: {  	s2 =	smul.u32 $0x3, s2;
	_ =	sdelay $0x1  }
0x31: {  	s2 =	ssub.s32 s0, s2  }
0x32: {  	s2 =	smul.u32 $0x7D00, s2  }
0x33: {  	_ =	swait.ge [sflag:s7], $0x1F40  }
0x34: {  	[sflag:s7] =	ssyncset.done $0x0;
	s2 =	sshrl.u32 s2, $0x2  }
0x35: {  	[sflag:s7] =	ssyncadd.s32 $0xFFFFE0C0;
	(ifvalue) =	ssetifvalue $0xFFFFFFFF;
	v3 =	vld.msk [tilespmem:s2+$0x100 ss:$0x1], $0xffff;
	_ =	sdelay $0x2  }
0x36: {  	s30 =	smulhi.u32 $0xAAAAAAAB, s18;
	p1 =	sne.s32 s24, $0x1  }
0x37: {  	v4 =	vimm.s32 @!p1 $0x0  }
0x38: {  	s2 =	sshrl.u32 s30, $0x1;
	v4 =	vperm.xlane @!p1 v3, v4  }
0x39: {  	s22 =	sshll.u32 s24, $0x4;
	s2 =	smul.u32 $0xFFFE8900, s2;
	vm4 =	vlt.u32 v3, $0x2800  }
0x3a: {  	s22 =	sand.u32 $0x10, s22;
	v3 =	vnsel vm4, $0xFFFFFFFE, v3;
	vm4 =	vlt.u32 @!p1 v4, $0x2800  }
0x3b: {  	s2 =	sshra.s32 s2, $0x2;
	[tilespmem:s22+$0x60] =	vst v3;
	v3 =	vnsel @!p1 vm4, $0xFFFFFFFE, v4  }
0x3c: {  	s28 =	sadd.s32 s2, s17;
	[tilespmem:$0x80] =	vst @!p1 v3  }
0x3d: {  	v3 =	vld.msk [tilespmem:s28+$0x0 ss:$0x1], $0xffff;
	_ =	sdelay $0x4  }
0x3e: {  	(xrf1) =	vunique.msk.u32 $0xffff, v3;
	_ =	sdelay $0xd  }
0x3f: {  	v4 =	vimm.s32 $0xFFFFFFFF;
	v5, _, _ =	vpop (xrf1)  }
0x40: {  	vm5 =	vne.s32 v3, v4;
	vm4 =	veq.s32 v5, v2  }
0x41: {  	vm6 =	vlt.u32 v3, $0x2800;
	vm4 =	vmand vm5, vm4  }
0x42: {  	vm4 =	vmand vm6, vm4  }
0x43: {  	v4 =	vnsel vm4, $0xFFFFFFFF, v3  }
0x44: {  	s31 =	sand.u32 $0x1, s0  }
0x45: {  	s0 =	simm.s32 $0x1F40;
	p1 =	seq.s32 s31, $0x1  }
0x46: {  	s0 =	simm.s32 @!p1 $0x0  }
0x47: {  	s26 =	sadd.s32 $0x7DF0, s0;
	(ifvalue) =	ssetifvalue $0xFFFFFFFF  }
0x48: {  	v3 =	vperm.xlane v3, v1;
	[tilespmem:s26], [sflag:$0x8] =	stream.indirect_vreg.gather [hbm4b:s1+s16], $0x1, v4, vm0, $0x4038;
	v4 =	vnsel vm6, $0xFFFFFFFE, v4;
	[tilespmem:$0x11A60] =	vst v63  }
0x49: {  	s2 =	simm.s32 $0x0;
	s22 =	sadd.s32 $0xFFFFFFF0, s28;
	[tilespmem:s28+$0x0] =	vst v4  }
.LBB2_3:
0x4a: {  	v4 =	vld.msk [tilespmem:s22+$0x0 ss:$0x1], $0xffff;
	s2 =	sadd.s32 $0x10, s2;
	v5 =	vmov v3;
	s28 =	smov.u32 s22  }
0x4b: {  	p1 =	slt.u32 s2, $0x1F30;
	_ =	sdelay $0x4  }
0x4c: {  	v3 =	vperm.xlane v4, v1;
	(xrf1) =	vunique.msk.u32 $0xffff, v4;
	_ =	sdelay $0xd  }
0x4d: {  	v6, _, _ =	vpop (xrf1)  }
0x4e: {  	vm5 =	vne.s32 v4, v5;
	vm4 =	veq.s32 v6, v2  }
0x4f: {  	vm6 =	vlt.u32 v4, $0x2800;
	vm4 =	vmand vm5, vm4  }
0x50: {  	vm4 =	vmand vm6, vm4  }
0x51: {  	v4 =	vnsel vm4, $0xFFFFFFFF, v4  }
.Ltmp3:
0x52: {  	v5 =	vnsel vm6, $0xFFFFFFFE, v4;
	(pc) =	sbr.rel @p1 .LBB2_3-.Ltmp3, $3  }
0x53: {  	_ =	sdelay $0x1  }
0x54: {  	s22 =	sadd.s32 $0xFFFFFFF0, s22;
	s26 =	sadd.s32 $0xFFFFFFF0, s26;
	(ifvalue) =	ssetifvalue $0xFFFFFFFF  }
0x55: {  	[tilespmem:s26], [sflag:$0x8] =	stream.indirect_vreg.gather [hbm4b:s1+s16], $0x1, v4, vm0, $0x4038;
	[tilespmem:s28+$0x0] =	vst v5  }
0x56: {  	s2 =	sshrl.u32 s25, $0x3  }
0x57: {  	s0 =	sadd.s32 $0x9D40, s0;
	s2 =	sadd.s32 s9, s2  }
0x58: {  	[tilespmem:s0], [sflag:$0x8] =	stream.linear.gather [hbm:s2], $0x1F40, $0x38;
	[tilespmem:$0x11A60] =	vst v63  }
.LBB2_5:
0x59: {  	p1 =	slt.u32 s24, $0x2  }
0x5a: {  	p2 =	sge.u32 @!p1 s24, s12  }
0x5b: {  	p1 =	por p1, p2  }
.Ltmp4:
0x5c: {  	_ = 	snop;
	(pc) =	sbr.rel @p1 .LBB2_9-.Ltmp4, $1  }
0x5d: {  	_ =	sdelay $0x3  }
0x5e: {  	s0 =	sadd.s32 $0xFFFFFFFE, s24  }
0x5f: {  	s2 =	smulhi.u32 $0xAAAAAAAB, s0;
	_ =	sdelay $0x1  }
0x60: {  	s2 =	sshrl.u32 s2, $0x1  }
0x61: {  	s2 =	smul.u32 $0x3, s2;
	_ =	sdelay $0x1  }
0x62: {  	s0 =	ssub.s32 s0, s2  }
0x63: {  	_ =	swait.ge [sflag:s8], $0x3E80;
	s0 =	smul.u32 $0x1F40, s0  }
0x64: {  	p1 =	sne.s32 s24, s11;
	[sflag:s8] =	ssyncset.done $0x0  }
0x65: {  	[sflag:s8] =	ssyncadd.s32 $0xFFFFC180;
	s2 =	sadd.s32 @!p1 $0x203F, s0  }
0x66: {  	[spmem:s14] =	stream.linear.scatter @!p1 [tilespmem:s2], [sflag:$0x1], $0x1, $0x38;
	[tilespmem:$0x11A60] =	vst v63  }
0x67: {  	s2 =	simm.s32 @!p1 $0x1  }
0x68: {  	_ =	swait.ge @!p1 [sflag:s2], $0x1  }
0x69: {  	s22 =	sshll.u32 s24, $0x4;
	[sflag:s2] =	ssyncset.done @!p1 $0x0  }
0x6a: {  	s25 =	sand.u32 $0x10, s22;
	[sflag:s2] =	ssyncadd.s32 @!p1 $0xFFFFFFFF  }
0x6b: {  	s2 =	sxor.u32 $0x10, s25;
	v4 =	vld [tilespmem:s25+$0x10]  }
0x6c: {  	v5 =	vld [tilespmem:s2+$0x60]  }
0x6d: {  	v3 =	vld [tilespmem:$0x80];
	_ =	sdelay $0x2  }
0x6e: {  	(v2sf) =	vpush v4, $0x0  }
0x6f: {  	(v2sf) =	vpush v5, $0x0  }
0x70: {  	(v2sf) =	vpush v3, $0x0;
	_ =	sdelay $0xc  }
0x71: {  	s22 =	spop (v2sf)  }
0x72: {  	s26 =	spop (v2sf)  }
0x73: {  	s28 =	spop (v2sf)  }
0x74: {  	p2 =	seq.s32 s22, s26;
	p3 =	seq.s32 s28, s22  }
0x75: {  	p3 =	por p2, p3  }
0x76: {  	s26 =	sand.u32 $0x1, s24;
	v4 =	vpsel p3, $0xFFFFFFFF, v4  }
0x77: {  	s29 =	smul.u32 $0x1F40, s26;
	[tilespmem:s25+$0x10] =	vst.msk $0x1, v4  }
0x78: {  	v4 =	vld [tilespmem:$0x30]  }
0x79: {  	v5 =	vld [tilespmem:s29+$0x9D40]  }
0x7a: {  	v6 =	vld [tilespmem:s25+$0x40];
	_ =	sdelay $0x3  }
0x7b: {  	vm4 =	vmmov vm1;
	v5 =	vadd.f32 v5, v4  }
0x7c: {  	vm5 =	vmmov vm2;
	vm4 =	vmmov @p2 vm2;
	s22 =	sshll.u32 s26, $0x4;
	v4 =	vadd.f32 v6, v4  }
0x7d: {  	s26 =	sor.u32 $0x11A40, s22;
	vm5 =	vmmov @p3 vm1;
	[tilespmem:s29+$0x9D40] =	vst.msk vm4, v5  }
0x7e: {  	[tilespmem:s26+$0x0] =	vst.msk vm5, v4  }
0x7f: {  	v4 =	vld [tilespmem:s29+$0x7DF0];
	_ =	sdelay $0x3  }
0x80: {  	v5 =	vimm.f32 $0.0e+00  }
0x81: {  	v4 =	vshift.insert v4, v5, s21  }
0x82: {  	s22 =	sor.u32 $0x40, s2  }
0x83: {  	[tilespmem:s22+$0x0] =	vst.msk $0x1, v4  }
0x84: {  	[tilespmem:s29+$0x7DFF] =	vst.msk $0x1, v5  }
0x85: {  	v4 =	vld [tilespmem:s0+$0x2030];
	_ =	sdelay $0x1  }
0x86: {  	s22 =	smulhi.u32 $0xAAAAAAAB, s20;
	s0 =	simm.s32 $0x1  }
0x87: {  	s0 =	simm.s32 @!p0 $0x0  }
0x88: {  	s22 =	sshrl.u32 s22, $0x1;
	s0 =	smul.u32 $0x7D00, s0  }
0x89: {  	s22 =	smul.u32 $0xFFFE8900, s22;
	v4 =	vshift.insert v4, v1, s21  }
0x8a: {  	s0 =	sshrl.u32 s0, $0x2  }
0x8b: {  	s22 =	sshra.s32 s22, $0x2;
	s30 =	sadd.s32 $0x9D40, s0;
	[tilespmem:s2+$0x10] =	vst.msk $0x1, v4  }
0x8c: {  	s22 =	sadd.s32 s22, s19;
	v6 =	vld [tilespmem:s30+$0x0]  }
0x8d: {  	v7 =	vld [tilespmem:s22+$0x0];
	_ =	sdelay $0x3  }
0x8e: {  	v5 =	vadd.f32 v6, v5  }
0x8f: {  	vm4 =	vne.s32 v7, $0xFFFFFFFF  }
0x90: {  	(xrf2) =	vadd.seg.scan.f32 vm4, v5;
	_ =	sdelay $0x3  }
0x91: {  	s31 =	sadd.s32 $0x5EC0, s0;
	v5 =	vperm.xlane v4, v1  }
0x92: {  	v6 =	vld [tilespmem:s31+$0x0]  }
0x93: {  	vm5 =	veq.s32 v7, v3;
	vm6 =	veq.s32 v7, v5  }
0x94: {  	vm7 =	vgt.u32 v7, $0xFFFFFFFD;
	vm6 =	vmor vm6, vm5  }
0x95: {  	vm6 =	vmor vm6, vm7  }
0x96: {  	v9 =	vld [tilespmem:$0xA0];
	v7 =	vsel vm6, $0xFFFFFFFF, v7  }
0x97: {  	v10 =	vld [tilespmem:$0x90];
	v6 =	vsel vm5, $0x0, v6;
	v8, _, _ =	vpop (xrf2)  }
0x98: {  	v6 =	vadd.f32 v8, v6  }
0x99: {  	s0 =	sadd.s32 $0xDBC0, s0  }
0x9a: {  	vm4 =	vmand vm4, vm3;
	[tilespmem:s0+$0x0] =	vst v6;
	(ifvalue) =	ssetifvalue $0xFFFFFFFF  }
0x9b: {  	vm6 =	veq.s32 v9, $0x1;
	[hbm4b:s1+s16] =	stream.indirect_vreg.scatter [tilespmem:s0], [sflag:$0x2], $0x1, v7, vm0, $0x4038;
	v7 =	vsel vm4, $0x0, v8;
	[tilespmem:$0x11A60] =	vst v63  }
0x9c: {  	s2 =	simm.s32 $0x0;
	s22 =	sadd.s32 $0x10, s22;
	vm4 =	vmor vm6, vm5;
	v6 =	vsel vm5, v8, v10;
	v7 =	vshift.insert v7, v0, s21  }
.LBB2_7:
0x9d: {  	v8 =	vld [tilespmem:s22+$0x0];
	s30 =	sadd.s32 $0x10, s30  }
0x9e: {  	s31 =	sadd.s32 $0x10, s31;
	v9 =	vld [tilespmem:s30+$0x0]  }
0x9f: {  	s2 =	sadd.s32 $0x10, s2;
	v10 =	vld [tilespmem:s31+$0x0]  }
0xa0: {  	p2 =	slt.u32 s2, $0x1F30;
	_ =	sdelay $0x2  }
0xa1: {  	v7 =	vadd.f32 v9, v7  }
0xa2: {  	vm5 =	vne.s32 v8, $0xFFFFFFFF  }
0xa3: {  	vm6 =	vmand vm5, vm3;
	(xrf2) =	vadd.seg.scan.f32 vm5, v7;
	_ =	sdelay $0x5  }
0xa4: {  	vm7 =	veq.s32 v8, v5;
	vm5 =	veq.s32 v8, v3  }
0xa5: {  	vm8 =	vgt.u32 v8, $0xFFFFFFFD;
	vm4 =	vmor vm4, vm5;
	vm7 =	vmor vm7, vm5  }
0xa6: {  	vm7 =	vmor vm7, vm8  }
0xa7: {  	v8 =	vsel vm7, $0xFFFFFFFF, v8  }
.Ltmp5:
0xa8: {  	v7 =	vsel vm5, $0x0, v10;
	v9, _, _ =	vpop (xrf2);
	(pc) =	sbr.rel @p2 .LBB2_7-.Ltmp5, $4  }
0xa9: {  	v6 =	vsel vm5, v9, v6;
	v10 =	vadd.f32 v9, v7;
	v7 =	vsel vm6, $0x0, v9  }
0xaa: {  	s0 =	sadd.s32 $0x10, s0;
	v7 =	vshift.insert v7, v0, s21  }
0xab: {  	s22 =	sadd.s32 $0x10, s22;
	[tilespmem:s0+$0x0] =	vst v10;
	(ifvalue) =	ssetifvalue $0xFFFFFFFF  }
0xac: {  	[hbm4b:s1+s16] =	stream.indirect_vreg.scatter [tilespmem:s0], [sflag:$0x2], $0x1, v8, vm0, $0x4038;
	[tilespmem:$0x11A60] =	vst v63  }
0xad: {  	v3 =	vld [tilespmem:s29+$0xFAF0];
	_ =	sdelay $0x4  }
0xae: {  	v3 =	vshift.insert v3, v0, s21  }
0xaf: {  	s0 =	simm.s32 $0x30  }
0xb0: {  	[tilespmem:s0+$0x0] =	vst.msk $0x1, v3  }
0xb1: {  	v3 =	vsel vm4, $0x1, v1;
	[tilespmem:$0x90] =	vst v6  }
0xb2: {  	s0 =	sadd.s32 @!p1 $0xFAFF, s29;
	[tilespmem:$0xA0] =	vst v3  }
0xb3: {  	[spmem:s15] =	stream.linear.scatter @!p1 [tilespmem:s0], [sflag:$0x1], $0x1, $0x38;
	[tilespmem:$0x11A60] =	vst v63  }
0xb4: {  	s0 =	simm.s32 @!p1 $0x1  }
0xb5: {  	v3 =	vmctz.xlane @!p1 vm4;
	_ =	swait.ge @!p1 [sflag:s0], $0x1  }
0xb6: {  	(v2sf) =	vpush @!p1 v4, $0x0  }
0xb7: {  	(v2sf) =	vpush @!p1 v3, $0x0;
	_ =	sdelay $0xd  }
0xb8: {  	s2 =	spop @!p1 (v2sf)  }
0xb9: {  	s22 =	spop @!p1 (v2sf)  }
0xba: {  	p2 =	sne.s32 @!p1 s28, s2;
	p3 =	slt.s32 @!p1 s22, $0xF  }
0xbb: {  	[sflag:s0] =	ssyncset.done @!p1 $0x0;
	p2 =	por p2, p1;
	p3 =	por !p3, p1  }
0xbc: {  	[sflag:s0] =	ssyncadd.s32 @!p1 $0xFFFFFFFF;
	v3 =	vimm.s32 @!p2 $0xFFFFFFFF;
	s22 =	simm.s32 @p3 $0xF  }
0xbd: {  	[tilespmem:$0x80] =	vst @!p2 v3;
	s2 =	sadd.s32 @!p1 $0x90, s22  }
0xbe: {  	[spmem:s3] =	stream.linear.scatter @!p1 [tilespmem:s2], [sflag:$0x1], $0x1, $0x38;
	[tilespmem:$0x11A60] =	vst v63  }
0xbf: {  	_ =	swait.ge @!p1 [sflag:s0], $0x1  }
0xc0: {  	[sflag:s0] =	ssyncset.done @!p1 $0x0  }
0xc1: {  	s2 =	simm.s32 @!p1 $0x80;
	[sflag:s0] =	ssyncadd.s32 @!p1 $0xFFFFFFFF  }
0xc2: {  	[spmem:s13] =	stream.linear.scatter @!p1 [tilespmem:s2], [sflag:$0x1], $0x1, $0x38;
	[tilespmem:$0x11A60] =	vst v63  }
0xc3: {  	_ =	swait.ge @!p1 [sflag:s0], $0x1  }
0xc4: {  	[sflag:s0] =	ssyncset.done @!p1 $0x0  }
0xc5: {  	[sflag:s0] =	ssyncadd.s32 @!p1 $0xFFFFFFFF;
	(ifvalue) =	ssetifvalue $0xFFFFFFFF;
	v3 =	vld [tilespmem:s25+$0x10];
	_ =	sdelay $0x3  }
.Ltmp6:
0xc6: {  	_ = 	snop;
	(pc) =	sbr.rel .LBB2_9-.Ltmp6, $3  }
0xc7: {  	_ =	sdelay $0x1  }
0xc8: {  	(ifvalue) =	ssetifvalue $0xFFFFFFFF  }
0xc9: {  	[hbm4b:s1+s16] =	stream.indirect_vreg.scatter [tilespmem:s26], [sflag:$0x9], $0x1, v3, vm0, $0x4038;
	[tilespmem:$0x11A60] =	vst v63  }
.LBB2_10:
0xca: {  	_ =	sfence.sel $0x180000  }
0xcb: {  	s0 =	simm.s32 $0x7;
	[bflag:$0x0] =	sbarrier.arrive $0xFFFF  }
0xcc: {  	s26 =	simm.s32 $0x8;
	[sflag:s0] =	ssyncpa.u1 $0x1  }
0xcd: {  	s28 =	simm.s32 $0x9;
	[sflag:s26] =	ssyncpa.u1 $0x1  }
0xce: {  	[sflag:s28] =	ssyncpa.u1 $0x1  }
0xcf: {  	_ =	sfence.stream.spmem  }
0xd0: {  	s29 =	simm.s32 $0x3;
	[bflag:$0x0] =	sbarrier.arrive $0xFFFF  }
0xd1: {  	s30 =	simm.s32 $0x4;
	[sflag:s29] =	ssyncpa.u1 $0x1  }
0xd2: {  	s31 =	simm.s32 $0x3C;
	s2 =	stileid.u32;
	[sflag:s30] =	ssyncpa.u1 $0x1  }
0xd3: {  	p0 =	sne.s32 s2, $0x0;
	[sflag:s31] =	ssyncpa.u1 $0x1  }
0xd4: {  	s0 =	simm.s32 @p0 $0x1;
	_ =	sfence @p0  }
0xd5: {  	[sflag:s0] =	ssyncpa.u1 @p0 $0x1;
	s0 =	simm.s32 @p0 $0x2  }
0xd6: {  	[sflag:s0] =	ssyncpa.u1 @p0 $0x1  }
0xd7: {  	_ =	strace @p0 $0x9000004A  }
0xd8: {  	[bflag:$0x2] =	sbarrier.arrive @p0 $0xFFFF  }
0xd9: {  	_ =	shalt @p0  }
.LBB2_11:
0xda: {  	_ =	sfence.stream.spmem;
	s0 =	simm.s32 $0x5  }
0xdb: {  	s2 =	simm.s32 $0x80;
	s3 =	simm.s32 $0xC0;
	[sflag:s0] =	ssyncpa.u1 $0x0  }
0xdc: {  	[tilespmem:s3], [sflag:$0x5] =	stream.linear.gather [spmem:s2], $0x20, $0x38;
	[tilespmem:$0x11A60] =	vst v63  }
0xdd: {  	s2 =	simm.s32 $0x0;
	s3 =	simm.s32 $0xE0  }
0xde: {  	[tilespmem:s3], [sflag:$0x5] =	stream.linear.gather [spmem:s2], $0x20, $0x38;
	[tilespmem:$0x11A60] =	vst v63  }
.Ltmp7:
0xdf: {  	_ = 	snop;
	(pc) =	sbr.rel .LBB2_12-.Ltmp7, $4  }
0xe0: {  	_ =	swait.ge [sflag:s0], $0x40  }
0xe1: {  	[sflag:s0] =	ssyncset.done $0x0  }
0xe2: {  	s31 =	simm.s32 $0x6;
	[sflag:s0] =	ssyncadd.s32 $0xFFFFFFC0  }
0xe3: {  	s4 =	simm.s32 $0x0;
	[sflag:s31] =	ssyncpa.u1 $0x0  }
.LBB2_17:
0xe4: {  	p0 =	sgt.u32 s5, $0x27FF  }
0xe5: {  	s0 =	sshrl.u32 @!p0 s5, $0x3  }
0xe6: {  	s5 =	sand.u32 @!p0 $0x7, s5;
	s6 =	simm.s32 @!p0 $0xB0;
	s0 =	sadd.s32 @!p0 s1, s0  }
0xe7: {  	[tilespmem:s6], [sflag:$0x6] =	stream.linear.gather @!p0 [hbm4b:s0+s5], $0x1, $0x38;
	[tilespmem:$0x11A60] =	vst v63  }
0xe8: {  	s0 =	simm.s32 @!p0 $0x6  }
0xe9: {  	_ =	swait.ge @!p0 [sflag:s0], $0x1  }
0xea: {  	[sflag:s0] =	ssyncset.done @!p0 $0x0  }
0xeb: {  	[sflag:s0] =	ssyncadd.s32 @!p0 $0xFFFFFFFF  }
0xec: {  	v2 =	vmov @!p0 s4;
	v1 =	vld.msk @!p0 [tilespmem:$0xB0], $0x1;
	_ =	sdelay $0x3  }
0xed: {  	s0 =	simm.s32 @!p0 $0xE0  }
0xee: {  	[tilespmem:v2+s0+$0x0], v1 =	vst.idx.ret.add.f32.msk @!p0 $0x1, v1  }
0xef: {  	[tilespmem:s2+$0xC0] =	vst.msk $0x1, v0  }
0xf0: {  	v0 =	vld.msk [tilespmem:s4+$0xE0], $0x1;
	_ =	sdelay $0x4  }
0xf1: {  	[tilespmem:s2+$0xE0] =	vst.msk $0x1, v0;
	s2 =	sadd.s32 $0x1, s2  }
.LBB2_19:
0xf2: {  	s4 =	sadd.s32 $0x1, s4  }
0xf3: {  	p0 =	sne.s32 s4, $0x20  }
.Ltmp8:
0xf4: {  	_ = 	snop;
	(pc) =	sbr.rel @!p0 .LBB2_20-.Ltmp8, $1  }
0xf5: {  	_ =	sdelay $0x3  }
.LBB2_12:
0xf6: {  	v0 =	vld.msk [tilespmem:s4+$0xC0], $0x1;
	_ =	sdelay $0x4  }
0xf7: {  	(v2sf) =	vpush v0, $0x0;
	_ =	sdelay $0xe  }
0xf8: {  	s5 =	spop (v2sf)  }
0xf9: {  	p0 =	seq.s32 s5, $0xFFFFFFFF  }
.Ltmp9:
0xfa: {  	_ = 	snop;
	(pc) =	sbr.rel @p0 .LBB2_19-.Ltmp9, $1  }
0xfb: {  	_ =	sdelay $0x3  }
0xfc: {  	p0 =	slt.s32 s2, $0x1  }
.Ltmp10:
0xfd: {  	_ = 	snop;
	(pc) =	sbr.rel @p0 .LBB2_17-.Ltmp10, $1  }
0xfe: {  	_ =	sdelay $0x3  }
0xff: {  	s0 =	simm.s32 $0xC0;
	p0 =	por $0x0, $0x0  }
0x100: {  	v1 =	vld.msk @!p0 [tilespmem:s0+$0x0], $0x1;
	_ =	sdelay $0x4  }
0x101: {  	(v2sf) =	vpush @!p0 v1, $0x0;
	_ =	sdelay $0xd  }
0x102: {  	p2 =	sne.s32 s2, $0x1  }
.Ltmp11:
0x103: {  	s6 =	spop @!p0 (v2sf);
	(pc) =	sbr.rel @!p2 .LBB2_16-.Ltmp11, $4  }
0x104: {  	p1 =	seq.s32 @!p0 s5, s6  }
0x105: {  	s6 =	simm.s32 $0x0;
	p1 =	por !p1, p0  }
0x106: {  	s8 =	simm.s32 $0xFFFFFFFF;
	s6 =	simm.s32 @p1 $0xFFFFFFFF  }
0x107: {  	s7 =	simm.s32 $0x1;
	s6 =	smov.u32 @p0 s8  }
.LBB2_15:
0x108: {  	s8 =	smov.u32 s6;
	p0 =	sne.s32 s6, $0xFFFFFFFF  }
0x109: {  	s0 =	sadd.s32 $0x1, s0;
	s6 =	smov.u32 s7;
	s7 =	sadd.s32 $0x1, s7  }
0x10a: {  	p1 =	sne.s32 s2, s7;
	v1 =	vld.msk @!p0 [tilespmem:s0+$0x0], $0x1;
	_ =	sdelay $0x4  }
0x10b: {  	(v2sf) =	vpush @!p0 v1, $0x0;
	_ =	sdelay $0xe  }
.Ltmp12:
0x10c: {  	s9 =	spop @!p0 (v2sf);
	(pc) =	sbr.rel @p1 .LBB2_15-.Ltmp12, $4  }
0x10d: {  	p2 =	seq.s32 @!p0 s5, s9  }
0x10e: {  	p2 =	por !p2, p0  }
0x10f: {  	s6 =	simm.s32 @p2 $0xFFFFFFFF  }
0x110: {  	s6 =	smov.u32 @p0 s8  }
.LBB2_16:
0x111: {  	p0 =	sne.s32 s6, $0xFFFFFFFF  }
.Ltmp13:
0x112: {  	_ = 	snop;
	(pc) =	sbr.rel @!p0 .LBB2_17-.Ltmp13, $1  }
0x113: {  	_ =	sdelay $0x3  }
0x114: {  	v0 =	vld.msk [tilespmem:s4+$0xE0], $0x1;
	v1 =	vmov s6  }
.Ltmp14:
0x115: {  	_ = 	snop;
	(pc) =	sbr.rel .LBB2_19-.Ltmp14, $2  }
0x116: {  	_ =	sdelay $0x2  }
0x117: {  	[tilespmem:v1+s3+$0x0], v0 =	vst.idx.ret.add.f32.msk $0x1, v0  }
.LBB2_20:
0x118: {  	p0 =	slt.s32 s2, $0x1  }
.Ltmp15:
0x119: {  	_ = 	snop;
	(pc) =	sbr.rel @p0 .LBB2_24-.Ltmp15, $3  }
0x11a: {  	_ =	sdelay $0x1  }
0x11b: {  	s0 =	simm.s32 $0x6  }
0x11c: {  	s3 =	simm.s32 $0x0;
	[sflag:s0] =	ssyncpa.u1 $0x1  }
0x11d: {  	s0 =	simm.s32 $0xC0  }
0x11e: {  	v0 =	vld.msk [tilespmem:s0+$0x0], $0x1;
	_ =	sdelay $0x4  }
0x11f: {  	(v2sf) =	vpush v0, $0x0;
	_ =	sdelay $0xe  }
0x120: {  	s2 =	sadd.s32 $0xFFFFFFFF, s2;
	s4 =	spop (v2sf)  }
0x121: {  	p1 =	sne.s32 s2, $0x0;
	p0 =	sgt.u32 s4, $0x27FF  }
.Ltmp16:
0x122: {  	s5 =	sshrl.u32 @!p0 s4, $0x3;
	(pc) =	sbr.rel @!p1 .LBB2_23-.Ltmp16, $4  }
0x123: {  	s0 =	simm.s32 $0xE0;
	s4 =	sand.u32 @!p0 $0x7, s4;
	s5 =	sadd.s32 @!p0 s1, s5  }
0x124: {  	[hbm4b:s5+s4] =	stream.linear.scatter @!p0 [tilespmem:s0], [sflag:$0x5], $0x1, $0x38;
	[tilespmem:$0x11A60] =	vst v63  }
0x125: {  	s5 =	simm.s32 $0x0  }
0x126: {  	s4 =	simm.s32 $0xC1;
	s5 =	simm.s32 @!p0 $0x4  }
.LBB2_22:
0x127: {  	v0 =	vld.msk [tilespmem:s4+$0x0], $0x1;
	s2 =	sadd.s32 $0xFFFFFFFF, s2;
	s3 =	sadd.s32 s3, s5  }
0x128: {  	p0 =	sne.s32 s2, $0x0;
	_ =	sdelay $0x3  }
0x129: {  	(v2sf) =	vpush v0, $0x0;
	_ =	sdelay $0xe  }
.Ltmp17:
0x12a: {  	s6 =	spop (v2sf);
	(pc) =	sbr.rel @p0 .LBB2_22-.Ltmp17, $4  }
0x12b: {  	s5 =	simm.s32 $0x0;
	p1 =	sgt.u32 s6, $0x27FF  }
0x12c: {  	s0 =	sadd.s32 $0x1, s0;
	s5 =	simm.s32 @!p1 $0x4;
	s7 =	sshrl.u32 @!p1 s6, $0x3  }
0x12d: {  	s4 =	sadd.s32 $0x1, s4;
	s6 =	sand.u32 @!p1 $0x7, s6;
	s7 =	sadd.s32 @!p1 s1, s7  }
0x12e: {  	[hbm4b:s7+s6] =	stream.linear.scatter @!p1 [tilespmem:s0], [sflag:$0x5], $0x1, $0x38;
	[tilespmem:$0x11A60] =	vst v63  }
.LBB2_23:
0x12f: {  	s0 =	sadd.s32 s3, s5  }
0x130: {  	s3 =	sshrl.u32 s0, $0x2  }
.LBB2_24:
0x131: {  	s0 =	simm.s32 $0x5  }
0x132: {  	_ =	swait.ge [sflag:s0], s3  }
0x133: {  	s1 =	ssub.s32 $0x0, s3;
	[sflag:s0] =	ssyncset.done $0x0  }
0x134: {  	[sflag:s0] =	ssyncadd.s32 s1  }
0x135: {  	[sflag:s0] =	ssyncpa.u1 $0x1  }
0x136: {  	s29 =	simm.s32 $0x1;
	_ =	sfence  }
0x137: {  	s30 =	simm.s32 $0x2;
	[sflag:s29] =	ssyncpa.u1 $0x1  }
0x138: {  	[sflag:s30] =	ssyncpa.u1 $0x1  }
0x139: {  	_ =	strace $0x9000004A  }
0x13a: {  	[bflag:$0x2] =	sbarrier.arrive $0xFFFF  }
0x13b: {  	s31 =	rddreg [dreg:$0x1]  }
0x13c: {  	s0 =	sadd.s32 $0x100000, s31  }
0x13d: {  	[sflag:s0] =	ssyncadd.tile.s32 $0x1;
	_ =	shalt  }
.Lfunc_end2:
_tile_overlayer_lowered:
.L_overlay_start_2:
0x13e: {  	(tag) =	ssettag $0x2  }
0x13f: {  	s0 =	rddreg [dreg:$0x0];
	s2 =	stileid.u32  }
0x140: {  	s1 =	rddreg [dreg:$0x1];
	p0 =	sne.s32 s2, $0x0  }
0x141: {  	s3 =	rddreg [dreg:$0x2];
	[bflag:$0x3] =	sbarrier.arrive $0xFFFF;
	s2 =	simm.s32 @!p0 $0x1C01  }
0x142: {  	[timem:s3], [sflag:s2] =	dma.local @!p0 [hbm:s0], s1  }
0x143: {  	s0 =	simm.s32 @!p0 $0x1  }
0x144: {  	_ =	swait.ge @!p0 [sflag:s0], s1  }
0x145: {  	s1 =	ssub.s32 @!p0 $0x0, s1;
	[sflag:s0] =	ssyncset.done @!p0 $0x0  }
0x146: {  	[sflag:s0] =	ssyncadd.s32 @!p0 s1  }
0x147: {  	[bflag:$0x3] =	sbarrier.arrive $0xFFFF  }
0x148: {  	_ =	shalt  }

// kernel: scatter_offload_async_start
scs
__scs_entry_jumppad:
0x0: {  	(pc) =	sbr.rel $0x88, $3  }
0x1: {  	(tag) =	ssettag $0x0;
	lr =	simm.s32 $0x1  }
0x2: {  	[smem:$0x3F91] =	sst lr;
	_ =	strace $0xD0000000  }
0x3: {  	_ = 	snop  }
0x4: {  	_ = 	snop  }
0x5: {  	_ = 	snop  }
0x6: {  	_ = 	snop  }
0x7: {  	_ = 	snop  }
__scs_overlays_trampoline_lowered:
0x8: {  	[smem:$0x3FA0] =	sst s0  }
0x9: {  	[smem:$0x3FA1] =	sst s1  }
0xa: {  	[smem:$0x3FA2] =	sst s2  }
0xb: {  	[smem:$0x3FA3] =	sst s3  }
0xc: {  	[smem:$0x3FA4] =	sst s4  }
0xd: {  	[smem:$0x3FA5] =	sst s5  }
0xe: {  	[smem:$0x3FA6] =	sst s6  }
0xf: {  	[smem:$0x3FA7] =	sst s7  }
0x10: {  	[smem:$0x3FA8] =	sst s8  }
0x11: {  	[smem:$0x3FA9] =	sst s9;
	s0 =	simm.s32 @!p0 $0x0  }
0x12: {  	s1 =	sld [smem:$0x3F8F];
	s0 =	simm.s32 @p0 $0x1  }
0x13: {  	[smem:$0x3FAA] =	sst s0;
	s0 =	simm.s32 @!p1 $0x0  }
0x14: {  	s2 =	sld [smem:$0x3F8E];
	s0 =	simm.s32 @p1 $0x1  }
0x15: {  	[smem:$0x3FAB] =	sst s0;
	s0 =	simm.s32 @!p2 $0x0  }
0x16: {  	s3 =	sld [smem:$0x3FDB];
	s0 =	simm.s32 @p2 $0x1  }
0x17: {  	s4 =	simm.s32 $0x1BF5;
	[smem:$0x3FAD] =	sst s0  }
0x18: {  	s0 =	sld [smem:$0x3F90];
	_ =	swait.ge [sflag:s4], $0x0  }
0x19: {  	s7 =	sld [smem:$0x3F91]  }
0x1a: {  	s8 =	sadd.s32 $0xFFFFE003, lr  }
0x1b: {  	s9 =	sadd.s32 $0xFFFFFEF7, lr;
	s5 =	simm.s32 $0xFFFFFFFF;
	p2 =	slt.u32 s8, $0xFFFFF086  }
0x1c: {  	p1 =	slt.u32 s9, $0xF7A;
	s5 =	simm.s32 @!p2 $0x0  }
0x1d: {  	s5 =	simm.s32 @p1 $0x1;
	p0 =	seq.s32 s7, s2  }
0x1e: {  	s7 =	smul.u32 @!p0 $0xF7A, s2;
	p2 =	seq.s32 @!p0 s5, $0x0  }
0x1f: {  	s9 =	smul.u32 $0xF7A, s1;
	s8 =	simm.s32 @!p0 $0x1BF5;
	p2 =	por !p2, p0  }
0x20: {  	[sflag:s8] =	ssyncset.s32 @!p0 $0xFFFFF086;
	s6 =	sadd.s32 @!p0 s3, s7;
	s7 =	simm.s32 @!p0 $0x108  }
0x21: {  	s3 =	sadd.s32 s3, s9;
	s6 =	sadd.s32 @!p0 $0x88, s6;
	s7 =	simm.s32 @p2 $0x1082  }
0x22: {  	[simem:s7], [sflag:s8] =	dma.local @!p0 [hbm:s6], $0xF7A  }
0x23: {  	s9 =	sor.u32 $0xD0000000, s2;
	s6 =	simm.s32 $0x108;
	_ =	swait.ge @!p0 [sflag:s8], $0x0  }
0x24: {  	s3 =	sadd.s32 $0x88, s3;
	s6 =	simm.s32 @!p1 $0x1082;
	[sflag:s4] =	ssyncset.s32 $0xFFFFF086  }
0x25: {  	[simem:s6], [sflag:s4] =	dma.local [hbm:s3], $0xF7A  }
0x26: {  	[smem:$0x3F91] =	sst s1;
	(tag) =	ssettag s2;
	_ =	strace s9  }
0x27: {  	s1 =	sld [smem:$0x3FA1]  }
0x28: {  	s2 =	sld [smem:$0x3FA2]  }
0x29: {  	s4 =	sld [smem:$0x3FA4]  }
0x2a: {  	p0 =	seq.s32 s5, $0x0;
	s5 =	sld [smem:$0x3FA5]  }
0x2b: {  	s6 =	sld [smem:$0x3FA6]  }
0x2c: {  	s7 =	sld [smem:$0x3FA7]  }
0x2d: {  	s3 =	simm.s32 $0x108;
	s8 =	sld [smem:$0x3FA8]  }
0x2e: {  	s3 =	simm.s32 @!p0 $0x1082;
	s9 =	sld [smem:$0x3FA9]  }
0x2f: {  	lr =	sadd.s32 s0, s3;
	s0 =	sld [smem:$0x3FA0]  }
0x30: {  	s3 =	sld [smem:$0x3FA3]  }
0x31: {  	[smem:$0x3FAC] =	sst s10  }
0x32: {  	s10 =	sld [smem:$0x3FAA];
	_ =	sdelay $0x3  }
0x33: {  	p0 =	seq.s32 s10, $0x1;
	s10 =	sld [smem:$0x3FAC];
	_ =	sdelay $0x3  }
0x34: {  	[smem:$0x3FAC] =	sst s10  }
0x35: {  	s10 =	sld [smem:$0x3FAB];
	_ =	sdelay $0x3  }
0x36: {  	p1 =	seq.s32 s10, $0x1;
	s10 =	sld [smem:$0x3FAC];
	_ =	sdelay $0x3  }
0x37: {  	[smem:$0x3FAC] =	sst s10  }
0x38: {  	s10 =	sld [smem:$0x3FAD]  }
0x39: {  	_ = 	snop;
	(pc) =	sbr.ind lr, $3  }
0x3a: {  	_ = 	snop  }
0x3b: {  	_ = 	snop  }
0x3c: {  	p2 =	seq.s32 s10, $0x1;
	s10 =	sld [smem:$0x3FAC]  }
0x3d: {  	_ =	shalt  }
0x3e: {  	_ =	shalt  }
0x3f: {  	_ =	shalt  }
0x40: {  	_ =	shalt  }
0x41: {  	_ =	shalt  }
0x42: {  	_ =	shalt  }
0x43: {  	_ =	shalt  }
0x44: {  	_ =	shalt  }
0x45: {  	_ =	shalt  }
0x46: {  	_ =	shalt  }
0x47: {  	_ =	shalt  }
0x48: {  	_ =	shalt  }
0x49: {  	_ =	shalt  }
0x4a: {  	_ =	shalt  }
0x4b: {  	_ =	shalt  }
0x4c: {  	_ =	shalt  }
0x4d: {  	_ =	shalt  }
0x4e: {  	_ =	shalt  }
0x4f: {  	_ =	shalt  }
0x50: {  	_ =	shalt  }
0x51: {  	_ =	shalt  }
0x52: {  	_ =	shalt  }
0x53: {  	_ =	shalt  }
0x54: {  	_ =	shalt  }
0x55: {  	_ =	shalt  }
0x56: {  	_ =	shalt  }
0x57: {  	_ =	shalt  }
0x58: {  	_ =	shalt  }
0x59: {  	_ =	shalt  }
0x5a: {  	_ =	shalt  }
0x5b: {  	_ =	shalt  }
0x5c: {  	_ =	shalt  }
0x5d: {  	_ =	shalt  }
0x5e: {  	_ =	shalt  }
0x5f: {  	_ =	shalt  }
0x60: {  	_ =	shalt  }
0x61: {  	_ =	shalt  }
0x62: {  	_ =	shalt  }
0x63: {  	_ =	shalt  }
0x64: {  	_ =	shalt  }
0x65: {  	_ =	shalt  }
0x66: {  	_ =	shalt  }
0x67: {  	_ =	shalt  }
0x68: {  	_ =	shalt  }
0x69: {  	_ =	shalt  }
0x6a: {  	_ =	shalt  }
0x6b: {  	_ =	shalt  }
0x6c: {  	_ =	shalt  }
0x6d: {  	_ =	shalt  }
0x6e: {  	_ =	shalt  }
0x6f: {  	_ =	shalt  }
0x70: {  	_ =	shalt  }
0x71: {  	_ =	shalt  }
0x72: {  	_ =	shalt  }
0x73: {  	_ =	shalt  }
0x74: {  	_ =	shalt  }
0x75: {  	_ =	shalt  }
0x76: {  	_ =	shalt  }
0x77: {  	_ =	shalt  }
0x78: {  	_ =	shalt  }
0x79: {  	_ =	shalt  }
0x7a: {  	_ =	shalt  }
0x7b: {  	_ =	shalt  }
0x7c: {  	_ =	shalt  }
0x7d: {  	_ =	shalt  }
0x7e: {  	_ =	shalt  }
0x7f: {  	_ =	shalt  }
0x80: {  	_ =	shalt  }
0x81: {  	_ =	shalt  }
0x82: {  	_ =	shalt  }
0x83: {  	_ =	shalt  }
0x84: {  	_ =	shalt  }
0x85: {  	_ =	shalt  }
0x86: {  	_ =	shalt  }
0x87: {  	_ =	shalt  }
.Lfunc_end0:
.L_simem_size_0:
called_computation_lowered:
.L_overlay_start_0:
0x88: {  	s2 =	sld [smem:$0x3FD9]  }
0x89: {  	s3 =	sld [smem:$0x3FFE];
	_ =	sdelay $0x1  }
0x8a: {  	s1 =	srdreg.scid  }
0x8b: {  	s0 =	sand.u32 $0x1, s1  }
0x8c: {  	s15 =	sshll.u32 s0, $0xA;
	s2 =	sadd.s32 s3, s2  }
0x8d: {  	s2 =	sadd.s32 s2, s15  }
0x8e: {  	[smem:$0x3FB8] =	sst s2  }
0x8f: {  	_ = 	snop  }
0x90: {  	s2 =	sld [smem:$0x3FD0];
	_ =	sdelay $0x2  }
0x91: {  	s4 =	simm.s32 $0xB;
	s16 =	simm.s32 $0x10  }
0x92: {  	[smem:s16], [sflag:s4] =	dma.local [hbm:s2], $0x1  }
0x93: {  	_ =	swait.eq [sflag:s4], $0x1  }
0x94: {  	[sflag:s4] =	ssyncset.done $0x0  }
0x95: {  	s17 =	sld [smem:$0x10];
	[sflag:s4] =	ssyncadd.s32 $0xFFFFFFFF  }
0x96: {  	s18 =	sld [smem:$0x11];
	(tm) =	ssettm $0x1  }
0x97: {  	s19 =	sld [smem:$0x3FFB];
	_ =	sdelay $0x3  }
0x98: {  	_ =	strace s19  }
0x99: {  	s2 =	sld [smem:$0x3FFC];
	_ =	sdelay $0x3  }
0x9a: {  	_ =	strace s2  }
0x9b: {  	s2 =	sld [smem:$0x3FFD];
	_ =	sdelay $0x3  }
0x9c: {  	_ =	strace s2  }
0x9d: {  	_ =	strace $0x8FFFFFFF  }
0x9e: {  	s20 =	sld [smem:$0x3FDB];
	_ =	sdelay $0x1  }
0x9f: {  	s5 =	simm.s32 $_scs_section_size  }
0xa0: {  	s6 =	simm.s32 $_size__tile_overlayer_lowered;
	s7 =	simm.s32 $_tile_overlayer_lowered  }
0xa1: {  	s8 =	simm.s32 $0x1BFF;
	s21 =	sshll.u32 s7, $0x1;
	s5 =	sadd.s32 s5, s20  }
0xa2: {  	s22 =	simm.s32 $0x0;
	s6 =	sshll.u32 s6, $0x1;
	s7 =	sadd.s32 s21, s5  }
0xa3: {  	[timem:s22], [sflag:s8] =	dma.local [hbm:s7], s6  }
0xa4: {  	_ =	swait.ge [sflag:s8], s6  }
0xa5: {  	s6 =	ssub.s32 $0x0, s6;
	[sflag:s8] =	ssyncset.done $0x0  }
0xa6: {  	[sflag:s8] =	ssyncadd.s32 s6;
	_ =	sdelay $0x1  }
0xa7: {  	s23 =	simm.s32 $0x1B8B  }
0xa8: {  	_ =	swait.ge [sflag:s23], $0x1  }
0xa9: {  	[sflag:s23] =	ssyncset.done $0x0  }
0xaa: {  	[sflag:s23] =	ssyncadd.s32 $0xFFFFFFFF  }
0xab: {  	s6 =	sld [smem:$0x0]  }
0xac: {  	s7 =	sand.u32 $0xFFFFFFFE, s1  }
0xad: {  	p0 =	sne.s32 s1, s7  }
0xae: {  	s7 =	sshll.u32 @p0 s7, $0xE  }
0xaf: {  	s7 =	sadd.s32 @p0 $0x11B8D, s7;
	s8 =	sshll.u32 @p0 s6, $0x11  }
0xb0: {  	s7 =	sor.u32 @p0 s8, s7  }
0xb1: {  	[sflag:s7] =	ssyncadd.remote.s32 @p0 $0x1;
	_ =	sdelay $0x1  }
0xb2: {  	s7 =	simm.s32 @p0 $0x1B8D  }
0xb3: {  	_ =	swait.eq @p0 [sflag:s7], $0x1  }
0xb4: {  	[sflag:s7] =	ssyncadd.s32 @p0 $0xFFFFFFFF  }
0xb5: {  	s8 =	sshll.u32 @!p0 s1, $0xE  }
0xb6: {  	s8 =	sor.u32 @!p0 $0x4000, s8;
	s7 =	simm.s32 @!p0 $0x1B8D  }
0xb7: {  	s9 =	sshll.u32 @!p0 s6, $0x11;
	s8 =	sadd.s32 @!p0 $0x11B8D, s8;
	_ =	swait.eq @!p0 [sflag:s7], $0x1  }
0xb8: {  	[sflag:s7] =	ssyncadd.s32 @!p0 $0xFFFFFFFF;
	s7 =	sor.u32 @!p0 s9, s8  }
0xb9: {  	s25 =	simm.s32 $0x1B8E;
	s24 =	sld [smem:$0x3FFE];
	[sflag:s7] =	ssyncadd.remote.s32 @!p0 $0x1  }
0xba: {  	s26 =	simm.s32 $execute0_lowered;
	[smem:$0x3FD2] =	sst s25  }
0xbb: {  	s8 =	sshll.u32 s26, $0x1;
	_ =	strace $0x8000004C;
	[dreg:$0x1] =	wrdreg $0xFFFFFFFF  }
0xbc: {  	s28 =	simm.s32 $_size_execute0_lowered;
	s5 =	sadd.s32 s5, s8;
	[dreg:$0x0] =	wrdreg $0x0  }
0xbd: {  	s8 =	sshll.u32 s28, $0x1;
	[dreg:$0x2] =	wrdreg s5  }
0xbe: {  	[dreg:$0x3] =	wrdreg s8  }
0xbf: {  	[dreg:$0x4] =	wrdreg $0xC0  }
0xc0: {  	_ =	task [dreg:s22], $0x5FFFF  }
0xc1: {  	[dreg:$0x1] =	wrdreg $0xFFFFFFFF  }
0xc2: {  	[dreg:$0x0] =	wrdreg $0x60  }
0xc3: {  	[dreg:$0x2] =	wrdreg s18  }
0xc4: {  	[dreg:$0x3] =	wrdreg s24  }
0xc5: {  	[dreg:$0x4] =	wrdreg s17  }
0xc6: {  	[dreg:$0x5] =	wrdreg s1  }
0xc7: {  	[dreg:$0x6] =	wrdreg s6  }
0xc8: {  	[dreg:$0x7] =	wrdreg $0x9  }
0xc9: {  	_ =	task.clear_ibuf [dreg:s22], $0x8FFFF;
	_ =	strace $0x9000004C  }
0xca: {  	s29 =	simm.s32 $0x9;
	_ =	strace $0x8000004E  }
0xcb: {  	_ =	swait.ge [sflag:s29], $0x1  }
0xcc: {  	[sflag:s29] =	ssyncadd.s32 $0xFFFFFFFF  }
0xcd: {  	_ =	strace $0x9000004E  }
0xce: {  	_ =	sfence  }
0xcf: {  	s30 =	sld [smem:$0x0];
	_ =	sdelay $0x2  }
0xd0: {  	s31 =	sshll.u32 s1, $0xD;
	s1 =	sshrl.u32 s1, $0x2  }
0xd1: {  	s4 =	sand.u32 $0x4000, s31;
	s1 =	sadd.s32 s1, s30  }
0xd2: {  	s0 =	sor.u32 s4, s0;
	s1 =	sshll.u32 s1, $0x11  }
0xd3: {  	s0 =	sor.u32 s1, s0  }
0xd4: {  	s0 =	sadd.s32 $0x8F2B, s0  }
0xd5: {  	[sflag:s0] =	ssyncadd.remote.s32 $0x1  }
0xd6: {  	_ =	sfence.sel $0xFFFF  }
0xd7: {  	[dreg:$0x0] =	wrdreg $0xFFFFFFFF;
	(pc) =	sbr.abs _section_cstart, $3  }
0xd8: {  	[dreg:$0x1] =	wrdreg $0xFFFFFFFF  }
0xd9: {  	_ =	task.clear_ibuf [dreg:s22], $0x2FFFF;
	_ =	strace $0x9FFFFFFF  }
0xda: {  	(tm) =	ssettm $0x7FFFFFFF  }
0xdb: {  	_ =	shalt  }
tec
execute0_lowered:
.L_overlay_start_1:
0x0: {  	(tag) =	ssettag $0x1  }
0x1: {  	s1 =	rddreg [dreg:$0x0]  }
0x2: {  	s2 =	rddreg [dreg:$0x1]  }
0x3: {  	s9 =	rddreg [dreg:$0x2]  }
0x4: {  	s3 =	rddreg [dreg:$0x3];
	_ =	strace $0x8000004D;
	s0 =	simm.s32 $0x1  }
0x5: {  	v0 =	vimm.s32 $0x0;
	[sflag:s0] =	ssyncpa.u1 $0x0;
	s0 =	simm.s32 $0x108  }
0x6: {  	[tilespmem:s0+$0x70] =	vst v0  }
0x7: {  	[tilespmem:s0+$0x60] =	vst v0  }
0x8: {  	[tilespmem:s0+$0x50] =	vst v0  }
0x9: {  	[tilespmem:s0+$0x40] =	vst v0  }
0xa: {  	[tilespmem:s0+$0x30] =	vst v0  }
0xb: {  	s15 =	sadd.s32 $0x9D9200, s2;
	[tilespmem:s0+$0x20] =	vst v0  }
0xc: {  	s14 =	sadd.s32 $0x9E3000, s2;
	s5 =	sand.u32 $0x1, s3;
	s3 =	simm.s32 $0x40;
	[tilespmem:s0+$0x10] =	vst v0  }
.LBB2_1:
0xd: {  	s3 =	sadd.s32 $0x40, s3;
	[tilespmem:s0+$0x0] =	vst v0;
	s0 =	sadd.s32 $0x80, s0  }
0xe: {  	p0 =	slt.u32 s3, $0x3C40;
	[tilespmem:s0+$0x70] =	vst v0  }
0xf: {  	[tilespmem:s0+$0x60] =	vst v0  }
.Ltmp0:
0x10: {  	[tilespmem:s0+$0x50] =	vst v0;
	(pc) =	sbr.rel @p0 .LBB2_1-.Ltmp0, $4  }
0x11: {  	[tilespmem:s0+$0x40] =	vst v0  }
0x12: {  	[tilespmem:s0+$0x30] =	vst v0  }
0x13: {  	[tilespmem:s0+$0x20] =	vst v0  }
0x14: {  	[tilespmem:s0+$0x10] =	vst v0  }
0x15: {  	s6 =	stileid.u32  }
0x16: {  	s2 =	smul.u32 $0x29, s6  }
0x17: {  	s3 =	smin.u32 s6, $0xB  }
0x18: {  	s2 =	sadd.s32 s3, s2  }
0x19: {  	p0 =	slt.u32 s6, $0xB;
	s7 =	smul.u32 $0xF0, s2;
	s2 =	simm.s32 $0x2760  }
0x1a: {  	s2 =	simm.s32 @!p0 $0x2670  }
0x1b: {  	s2 =	sadd.s32 s2, s7  }
0x1c: {  	s8 =	smin.u32 s2, $0x27100  }
0x1d: {  	s2 =	ssub.s32 s8, s7  }
0x1e: {  	p0 =	sgt.s32 s2, $0x0  }
0x1f: {  	s29 =	simm.s32 $0x2;
	s10 =	simm.s32 $0x9;
	s2 =	simm.s32 @!p0 $0x0  }
0x20: {  	s4 =	simm.s32 $0xA;
	s11 =	simm.s32 $0xB;
	s28 =	smulhi.u32 $0x88888889, s2  }
0x21: {  	[dreg:$0x6] =	wrdreg s5;
	s31 =	smul.u32 $0x4E20, s5;
	s12 =	simm.s32 $0x1  }
0x22: {  	s22 =	simm.s32 $0x0;
	s18 =	simm.s32 $0xC;
	s30 =	sshrl.u32 s28, $0x7  }
0x23: {  	s20 =	simm.s32 $0x0;
	s21 =	simm.s32 $0x0;
	s3 =	smul.u32 $0xF0, s30  }
.Ltmp1:
0x24: {  	[tilespmem:s0+$0x0] =	vst v0;
	v0 =	vimm.s32 $0xFFFFFFFF;
	[sflag:s29] =	ssyncpa.u1 $0x0;
	s16 =	sshll.u32 s6, $0x8;
	(pc) =	sbr.rel .LBB2_3-.Ltmp1, $4  }
0x25: {  	[tilespmem:$0xF208] =	vst v0;
	[sflag:s10] =	ssyncpa.u1 $0x0;
	p0 =	sne.s32 s2, s3;
	s2 =	simm.s32 $0x1  }
0x26: {  	s14 =	sadd.s32 s31, s14;
	[sflag:s4] =	ssyncpa.u1 $0x0;
	s2 =	simm.s32 @!p0 $0x0  }
0x27: {  	s15 =	sadd.s32 s31, s15;
	[sflag:s11] =	ssyncpa.u1 $0x0;
	s13 =	sadd.s32 s2, s30  }
0x28: {  	v0 =	vlaneseq.u32;
	s19 =	smov.u32 s7;
	p0 =	por $0x0, $0x0;
	s17 =	sadd.s32 $0x1, s13  }
.LBB2_18:
0x29: {  	s0 =	sshrl.u32 s31, $0x2  }
.LBB2_20:
0x2a: {  	_ =	swait.ge [sflag:s18], s0  }
0x2b: {  	s31 =	ssub.s32 $0x0, s0;
	v1 =	vmov s24;
	vm0 =	veq.s32 v0, $0x0;
	[sflag:s18] =	ssyncset.done $0x0  }
0x2c: {  	vm15 =	veq.s32 v0, $0x2;
	v1 =	vsel vm0, s30, v1;
	[sflag:s18] =	ssyncadd.s32 s31  }
0x2d: {  	v1 =	vsel vm15, s22, v1;
	[sflag:s18] =	ssyncpa.u1 $0x1  }
0x2e: {  	[tilespmem:$0xF208] =	vst v1  }
.LBB2_21:
0x2f: {  	s0 =	sadd.s32 $0xF0, s19  }
0x30: {  	s2 =	smov.u32 s7;
	p1 =	slt.s32 s0, s8  }
0x31: {  	s2 =	smov.u32 @p1 s0;
	p1 =	sne.s32 s21, s17  }
.Ltmp2:
0x32: {  	_ = 	snop;
	(pc) =	sbr.rel @!p1 .LBB2_22-.Ltmp2, $3  }
0x33: {  	_ =	sdelay $0x1  }
0x34: {  	s22 =	smov.u32 s20;
	s31 =	sadd.s32 $0x1, s21;
	s20 =	smov.u32 s19  }
0x35: {  	p0 =	por !p0, !p0;
	s21 =	smov.u32 s31;
	s19 =	smov.u32 s2  }
.LBB2_3:
0x36: {  	p1 =	sge.u32 s21, s13  }
0x37: {  	s0 =	smulhi.u32 @!p1 $0xAAAAAAAB, s21  }
0x38: {  	s2 =	smov.u32 s19;
	p2 =	sgt.s32 @!p1 s19, $0x27010  }
0x39: {  	s3 =	sshra.s32 @!p1 s19, $0x1F;
	p2 =	por !p2, p1;
	s0 =	sshrl.u32 @!p1 s0, $0x1  }
0x3a: {  	s3 =	sand.u32 @!p1 s3, s19;
	s2 =	simm.s32 @p2 $0x27010;
	s0 =	smul.u32 @!p1 $0x3, s0  }
0x3b: {  	s2 =	ssub.s32 @!p1 s2, s3  }
0x3c: {  	s2 =	sadd.s32 @!p1 $0xFFFD8FF0, s2;
	s0 =	ssub.s32 @!p1 s21, s0  }
0x3d: {  	s3 =	sshll.u32 @!p1 s2, $0x2;
	p2 =	sgt.s32 @!p1 s2, $0xEF;
	s0 =	smul.u32 @!p1 $0x3C0, s0  }
0x3e: {  	s4 =	sand.u32 @!p1 $0x7, s19;
	s2 =	ssub.s32 @!p1 $0x3C0, s3;
	p2 =	por !p2, p1  }
0x3f: {  	s3 =	sshrl.u32 @!p1 s19, $0x3;
	s2 =	sshrl.u32 @!p1 s2, $0x2;
	s0 =	sshrl.u32 @!p1 s0, $0x2  }
0x40: {  	s3 =	sadd.s32 @!p1 s3, s14;
	s2 =	simm.s32 @!p2 $0x0;
	s0 =	sadd.s32 @!p1 $0x10248, s0  }
0x41: {  	[tilespmem:s0], [sflag:$0xA] =	stream.linear.gather @!p1 [hbm4b:s3+s4], s2, $0x38;
	[tilespmem:$0x1F6F8] =	vst v63  }
0x42: {  	s0 =	sadd.s32 $0xFFFFFFFF, s21  }
0x43: {  	p1 =	sge.u32 s0, s13  }
0x44: {  	p2 =	sgt.s32 @!p1 s20, $0x27010  }
0x45: {  	s2 =	smov.u32 s20;
	s3 =	sshra.s32 @!p1 s20, $0x1F;
	p2 =	por !p2, p1  }
0x46: {  	s3 =	sand.u32 @!p1 s3, s20;
	s2 =	simm.s32 @p2 $0x27010  }
0x47: {  	s2 =	ssub.s32 @!p1 s2, s3  }
0x48: {  	s2 =	sadd.s32 @!p1 $0xFFFD8FF0, s2  }
0x49: {  	s4 =	sand.u32 @!p1 $0x1, s0;
	s3 =	sshll.u32 @!p1 s2, $0x2  }
0x4a: {  	p2 =	sgt.s32 @!p1 s2, $0xEF;
	s2 =	ssub.s32 @!p1 $0x3C0, s3;
	s3 =	smulhi.u32 @!p1 $0xAAAAAAAB, s0  }
0x4b: {  	s23 =	smul.u32 @!p1 $0x3C0, s4;
	p2 =	por !p2, p1;
	s2 =	sshrl.u32 @!p1 s2, $0x2  }
0x4c: {  	s5 =	simm.s32 @!p1 $0xA;
	s2 =	simm.s32 @!p2 $0x0;
	s3 =	sshrl.u32 @!p1 s3, $0x1  }
0x4d: {  	s23 =	sshrl.u32 @!p1 s23, $0x2;
	_ =	swait.ge @!p1 [sflag:s5], s2;
	s3 =	smul.u32 @!p1 $0x3, s3  }
0x4e: {  	s23 =	sadd.s32 @!p1 $0x10518, s23;
	s24 =	ssub.s32 @!p1 $0x0, s2;
	[sflag:s5] =	ssyncset.done @!p1 $0x0  }
0x4f: {  	[sflag:s5] =	ssyncadd.s32 @!p1 s24;
	s5 =	sshrl.u32 @!p1 s20, $0x3;
	s0 =	ssub.s32 @!p1 s0, s3  }
0x50: {  	s24 =	sand.u32 @!p1 $0x7, s20;
	s5 =	sadd.s32 @!p1 s5, s15;
	s0 =	smul.u32 @!p1 $0x3C0, s0  }
0x51: {  	[tilespmem:s23], [sflag:$0xB] =	stream.linear.gather @!p1 [hbm4b:s5+s24], s2, $0x38;
	[tilespmem:$0x1F6F8] =	vst v63  }
0x52: {  	s3 =	ssub.s32 @!p1 $0x27100, s20;
	s2 =	smul.u32 @!p1 $0x1E000, s4  }
0x53: {  	p2 =	slt.s32 @!p1 s3, $0xF0  }
0x54: {  	p2 =	por !p2, p1;
	s0 =	sshrl.u32 @!p1 s0, $0x2;
	s2 =	sshrl.u32 @!p1 s2, $0x2  }
0x55: {  	s3 =	simm.s32 @p2 $0xF0;
	s0 =	sadd.s32 @!p1 $0x10248, s0;
	s2 =	sor.u32 @!p1 $0x106F8, s2  }
0x56: {  	[tilespmem:s2], [sflag:$0x9] =	stream.indirect.gather @!p1 [hbm4b:s9+s3], $0x80, s0, s3, $0xb8;
	[tilespmem:$0x1F6F8] =	vst v63  }
0x57: {  	p1 =	slt.u32 s21, $0x2  }
.Ltmp3:
0x58: {  	_ = 	snop;
	(pc) =	sbr.rel @p1 .LBB2_21-.Ltmp3, $1  }
0x59: {  	_ =	sdelay $0x3  }
0x5a: {  	p1 =	sgt.s32 s22, $0x27010  }
0x5b: {  	s0 =	smov.u32 s22;
	s2 =	sshra.s32 s22, $0x1F;
	s3 =	ssub.s32 $0x27100, s22  }
0x5c: {  	s0 =	simm.s32 @!p1 $0x27010;
	s2 =	sand.u32 s2, s22;
	p1 =	slt.s32 s3, $0xF0  }
0x5d: {  	s0 =	ssub.s32 s0, s2;
	s3 =	simm.s32 @!p1 $0xF0  }
0x5e: {  	s0 =	sadd.s32 $0xFFFD8FF0, s0;
	s25 =	sshll.u32 s3, $0x7  }
0x5f: {  	s26 =	sshll.u32 s0, $0x2;
	s2 =	sand.u32 $0x3FFFFF80, s25  }
0x60: {  	p1 =	sgt.s32 s0, $0xEF;
	s29 =	ssub.s32 $0x3C0, s26;
	_ =	swait.ge [sflag:s10], s2  }
0x61: {  	s2 =	ssub.s32 $0x0, s2;
	[sflag:s10] =	ssyncset.done $0x0;
	s0 =	sshrl.u32 s29, $0x2  }
0x62: {  	[sflag:s10] =	ssyncadd.s32 s2;
	s0 =	simm.s32 @p1 $0x0  }
0x63: {  	_ =	swait.ge [sflag:s11], s0  }
0x64: {  	s0 =	ssub.s32 $0x0, s0;
	[sflag:s11] =	ssyncset.done $0x0  }
0x65: {  	[sflag:s11] =	ssyncadd.s32 s0  }
0x66: {  	v1 =	vld [tilespmem:$0xF208];
	_ =	sdelay $0x4  }
0x67: {  	(v2sf) =	vpush v1, $0x0  }
0x68: {  	(v2sf) =	vpush v1, $0x1  }
0x69: {  	(v2sf) =	vpush v1, $0x2;
	_ =	sdelay $0x3  }
0x6a: {  	s0 =	sadd.s32 $0xF0, s22  }
0x6b: {  	s2 =	ssub.s32 $0x4E200, s22;
	p1 =	slt.s32 s8, s0  }
0x6c: {  	s0 =	smov.u32 @p1 s8;
	p1 =	sgt.s32 s2, $0x0  }
0x6d: {  	s26 =	ssub.s32 s0, s22;
	s2 =	simm.s32 @!p1 $0x0  }
0x6e: {  	p1 =	slt.s32 s2, s26  }
0x6f: {  	s26 =	smov.u32 @p1 s2  }
0x70: {  	s25 =	simm.s32 $0x1;
	p1 =	slt.s32 s26, $0x1  }
.Ltmp4:
0x71: {  	s25 =	simm.s32 @!p0 $0x0;
	(pc) =	sbr.rel @p1 .LBB2_8-.Ltmp4, $4  }
0x72: {  	s31 =	smul.u32 $0x3C0, s25  }
0x73: {  	s28 =	spop (v2sf)  }
0x74: {  	s0 =	sshrl.u32 s31, $0x2;
	s30 =	spop (v2sf)  }
0x75: {  	s23 =	sadd.s32 $0x10518, s0;
	s22 =	spop (v2sf)  }
0x76: {  	s0 =	smin.u32 s26, $0x10  }
0x77: {  	v1 =	vmov s0  }
0x78: {  	p2 =	sgt.s32 s26, $0x10;
	vm1 =	vgt.u32 v1, v0  }
.Ltmp5:
0x79: {  	_ = 	snop;
	(pc) =	sbr.rel @!p2 .LBB2_7-.Ltmp5, $2  }
0x7a: {  	_ =	sdelay $0x2  }
0x7b: {  	s4 =	simm.s32 $0x10;
	s24 =	sadd.s32 $0xFFFFFFF0, s26;
	s0 =	smov.u32 s23;
	vm0 =	vmmov vm1  }
.LBB2_6:
0x7c: {  	s2 =	smin.u32 s24, $0x10;
	s4 =	sadd.s32 $0x10, s4;
	v1 =	vld.msk [tilespmem:s0+$0x0 ss:$0x1], vm1  }
0x7d: {  	v2 =	vmov s2;
	p2 =	slt.s32 s4, s26  }
0x7e: {  	vm1 =	vgt.u32 v2, v0  }
.Ltmp6:
0x7f: {  	(pc) =	sbr.rel @p2 .LBB2_6-.Ltmp6, $3  }
0x80: {  	_ =	sdelay $0x1  }
0x81: {  	v1 =	vshll.u32 v1, $0x4  }
0x82: {  	s24 =	sadd.s32 $0xFFFFFFF0, s24;
	[tilespmem:s0+$0x0] =	vst.msk vm0, v1;
	s0 =	sadd.s32 $0x10, s0;
	vm0 =	vmmov vm1  }
.LBB2_7:
0x83: {  	_ =	sdelay $0x4  }
0x84: {  	v1 =	vld.msk [tilespmem:s0+$0x0 ss:$0x1], vm1;
	_ =	sdelay $0x4  }
0x85: {  	v1 =	vshll.u32 v1, $0x4  }
0x86: {  	[tilespmem:s0+$0x0] =	vst.msk vm0, v1  }
.LBB2_8:
0x87: {  	s0 =	sand.u32 $0x1, s21  }
0x88: {  	s0 =	smul.u32 $0xF0, s0  }
0x89: {  	p2 =	sne.s32 s30, $0xFFFFFFFF  }
0x8a: {  	v1 =	vld.msk @!p2 [tilespmem:s0+$0x10518], $0x1;
	_ =	sdelay $0x4  }
0x8b: {  	(v2sf) =	vpush @!p2 v1, $0x0;
	_ =	sdelay $0xc  }
.Ltmp7:
0x8c: {  	_ = 	snop;
	(pc) =	sbr.rel @p1 .LBB2_19-.Ltmp7, $4  }
0x8d: {  	_ = 	snop  }
0x8e: {  	s29 =	spop @!p2 (v2sf)  }
0x8f: {  	s22 =	simm.s32 @!p2 $0x0;
	s24 =	smov.u32 s29  }
0x90: {  	[sflag:s18] =	ssyncpa.u1 $0x0;
	s29 =	smov.u32 @p2 s28;
	s24 =	smov.u32 @p2 s30  }
0x91: {  	v1 =	vld.msk [tilespmem:s23+$0x0], $0x1;
	_ =	sdelay $0x4  }
0x92: {  	(v2sf) =	vpush v1, $0x0;
	_ =	sdelay $0xe  }
0x93: {  	s2 =	smul.u32 $0x1E000, s25;
	s0 =	spop (v2sf)  }
0x94: {  	s26 =	ssub.s32 $0x0, s26;
	p1 =	seq.s32 s29, s0  }
0x95: {  	s30 =	sadd.s32 $0x1, s26;
	s2 =	sshrl.u32 s2, $0x2;
	p2 =	sgt.s32 @!p1 s29, $0x0  }
0x96: {  	s25 =	sor.u32 $0x10738, s2;
	s2 =	smov.u32 s29;
	p2 =	por !p2, p1  }
0x97: {  	s2 =	simm.s32 @p2 $0x0;
	p2 =	seq.s32 s30, $0x0  }
.Ltmp8:
0x98: {  	_ = 	snop;
	(pc) =	sbr.rel @p2 .LBB2_11-.Ltmp8, $4  }
0x99: {  	_ = 	snop  }
0x9a: {  	s28 =	simm.s32 $0x0;
	s31 =	sadd.s32 $0x1, s23;
	s2 =	smin.u32 @!p1 s2, $0x270F0  }
0x9b: {  	s4 =	simm.s32 @!p1 $0x1;
	s5 =	simm.s32 @!p1 $0x7988;
	s3 =	sand.u32 @!p1 $0x3FFF8, s2  }
0x9c: {  	s4 =	smov.u32 @p1 s28;
	s2 =	sand.u32 @!p1 $0x7, s2;
	s3 =	sadd.s32 @!p1 s1, s3  }
.LBB2_10:
0x9d: {  	s6 =	smov.u32 s4  }
0x9e: {  	[tilespmem:s5], [sflag:$0x2] =	stream.linear.gather @!p1 [hbm4b:s3+s2], $0x80, $0x38;
	[tilespmem:$0x1F6F8] =	vst v63  }
0x9f: {  	s30 =	sadd.s32 $0x1, s30;
	s2 =	smov.u32 s0;
	v1 =	vld.msk [tilespmem:s31+$0x0], $0x1  }
0xa0: {  	p2 =	seq.s32 s30, $0x0;
	_ =	sdelay $0x3  }
0xa1: {  	(v2sf) =	vpush v1, $0x0;
	_ =	sdelay $0xe  }
0xa2: {  	s0 =	spop (v2sf)  }
0xa3: {  	p1 =	seq.s32 s2, s0  }
0xa4: {  	p3 =	sgt.s32 @!p1 s2, $0x0;
	s3 =	sshll.u32 @!p1 s4, $0x9;
	s4 =	sadd.s32 @!p1 $0x1, s4  }
.Ltmp9:
0xa5: {  	p3 =	por !p3, p1;
	s3 =	sshra.s32 @!p1 s3, $0x2;
	(pc) =	sbr.rel @!p2 .LBB2_10-.Ltmp9, $4  }
0xa6: {  	s4 =	smov.u32 @p1 s6;
	s2 =	simm.s32 @p3 $0x0;
	s5 =	sadd.s32 @!p1 $0x7988, s3  }
0xa7: {  	s2 =	smin.u32 @!p1 s2, $0x270F0  }
0xa8: {  	s3 =	sand.u32 @!p1 $0x3FFF8, s2;
	s2 =	sand.u32 @!p1 $0x7, s2  }
0xa9: {  	s31 =	sadd.s32 $0x1, s31;
	s3 =	sadd.s32 @!p1 s1, s3  }
.LBB2_11:
0xaa: {  	[tilespmem:s5], [sflag:$0x2] =	stream.linear.gather @!p1 [hbm4b:s3+s2], $0x80, $0x38;
	[tilespmem:$0x1F6F8] =	vst v63  }
.Ltmp10:
0xab: {  	s0 =	sshll.u32 s4, $0x7;
	(pc) =	sbr.rel .LBB2_12-.Ltmp10, $4  }
0xac: {  	s30 =	simm.s32 $0x2;
	s0 =	sand.u32 $0x3FFFFF80, s0  }
0xad: {  	_ =	swait.ge [sflag:s30], s0  }
0xae: {  	s0 =	ssub.s32 $0x0, s0;
	[sflag:s30] =	ssyncset.done $0x0  }
0xaf: {  	s31 =	simm.s32 $0x0;
	[sflag:s30] =	ssyncadd.s32 s0  }
.LBB2_13:
0xb0: {  	v1 =	vld [tilespmem:s25+$0xFFFFFFC0];
	_ =	sdelay $0x3  }
0xb1: {  	s0 =	sshra.s32 s0, $0x2  }
0xb2: {  	[tilespmem:s0+$0x108] =	vst.add.f32.msk $0xffff, v1  }
0xb3: {  	v1 =	vld [tilespmem:s25+$0xFFFFFFD0];
	_ =	sdelay $0x4  }
0xb4: {  	[tilespmem:s0+$0x118] =	vst.add.f32.msk $0xffff, v1  }
0xb5: {  	v1 =	vld [tilespmem:s25+$0xFFFFFFE0];
	_ =	sdelay $0x4  }
0xb6: {  	[tilespmem:s0+$0x128] =	vst.add.f32.msk $0xffff, v1  }
0xb7: {  	v1 =	vld [tilespmem:s25+$0xFFFFFFF0];
	_ =	sdelay $0x4  }
0xb8: {  	[tilespmem:s0+$0x138] =	vst.add.f32.msk $0xffff, v1  }
0xb9: {  	v1 =	vld [tilespmem:s25+$0x0];
	_ =	sdelay $0x4  }
0xba: {  	[tilespmem:s0+$0x148] =	vst.add.f32.msk $0xffff, v1  }
0xbb: {  	v1 =	vld [tilespmem:s25+$0x10];
	_ =	sdelay $0x4  }
0xbc: {  	[tilespmem:s0+$0x158] =	vst.add.f32.msk $0xffff, v1  }
0xbd: {  	v1 =	vld [tilespmem:s25+$0x20];
	_ =	sdelay $0x4  }
0xbe: {  	[tilespmem:s0+$0x168] =	vst.add.f32.msk $0xffff, v1  }
0xbf: {  	v1 =	vld [tilespmem:s25+$0x30];
	_ =	sdelay $0x4  }
0xc0: {  	[tilespmem:s0+$0x178] =	vst.add.f32.msk $0xffff, v1  }
.LBB2_17:
0xc1: {  	s26 =	sadd.s32 $0x1, s26  }
0xc2: {  	p1 =	seq.s32 s26, $0x0  }
.Ltmp11:
0xc3: {  	_ = 	snop;
	(pc) =	sbr.rel @p1 .LBB2_18-.Ltmp11, $2  }
0xc4: {  	_ =	sdelay $0x2  }
0xc5: {  	s23 =	sadd.s32 $0x1, s23;
	s25 =	sadd.s32 $0x80, s25;
	s29 =	smov.u32 s30  }
.LBB2_12:
0xc6: {  	v1 =	vld.msk [tilespmem:s23+$0x0], $0x1;
	_ =	sdelay $0x4  }
0xc7: {  	(v2sf) =	vpush v1, $0x0;
	_ =	sdelay $0xe  }
0xc8: {  	s30 =	spop (v2sf)  }
0xc9: {  	p1 =	sne.s32 s29, s30  }
.Ltmp12:
0xca: {  	_ = 	snop;
	(pc) =	sbr.rel @!p1 .LBB2_13-.Ltmp12, $2  }
0xcb: {  	_ =	sdelay $0x2  }
0xcc: {  	s0 =	sshll.u32 s22, $0x9  }
0xcd: {  	p1 =	seq.s32 s29, s24  }
.Ltmp13:
0xce: {  	_ = 	snop;
	(pc) =	sbr.rel @!p1 .LBB2_15-.Ltmp13, $1  }
0xcf: {  	_ =	sdelay $0x3  }
0xd0: {  	s0 =	sshra.s32 s0, $0x2  }
.Ltmp14:
0xd1: {  	s0 =	sadd.s32 $0x108, s0;
	(pc) =	sbr.rel .LBB2_16-.Ltmp14, $4  }
0xd2: {  	[spmem:s16] =	stream.linear.scatter [tilespmem:s0], [sflag:$0x1], $0x80, $0x38;
	[tilespmem:$0x1F6F8] =	vst v63  }
0xd3: {  	_ =	swait.ge [sflag:s12], $0x80  }
0xd4: {  	[sflag:s12] =	ssyncset.done $0x0  }
0xd5: {  	[sflag:s12] =	ssyncadd.s32 $0xFFFFFF80  }
.LBB2_15:
0xd6: {  	s2 =	sshll.u32 s28, $0x9  }
0xd7: {  	s2 =	sshra.s32 s2, $0x2  }
0xd8: {  	v1 =	vld [tilespmem:s2+$0x7988];
	_ =	sdelay $0x3  }
0xd9: {  	s0 =	sshra.s32 s0, $0x2  }
0xda: {  	[tilespmem:s0+$0x108] =	vst.add.f32.msk $0xffff, v1  }
0xdb: {  	v1 =	vld [tilespmem:s2+$0x7998];
	_ =	sdelay $0x4  }
0xdc: {  	[tilespmem:s0+$0x118] =	vst.add.f32.msk $0xffff, v1  }
0xdd: {  	v1 =	vld [tilespmem:s2+$0x79A8];
	_ =	sdelay $0x4  }
0xde: {  	[tilespmem:s0+$0x128] =	vst.add.f32.msk $0xffff, v1  }
0xdf: {  	v1 =	vld [tilespmem:s2+$0x79B8];
	_ =	sdelay $0x4  }
0xe0: {  	[tilespmem:s0+$0x138] =	vst.add.f32.msk $0xffff, v1  }
0xe1: {  	v1 =	vld [tilespmem:s2+$0x79C8];
	_ =	sdelay $0x4  }
0xe2: {  	[tilespmem:s0+$0x148] =	vst.add.f32.msk $0xffff, v1  }
0xe3: {  	v1 =	vld [tilespmem:s2+$0x79D8];
	_ =	sdelay $0x4  }
0xe4: {  	[tilespmem:s0+$0x158] =	vst.add.f32.msk $0xffff, v1  }
0xe5: {  	v1 =	vld [tilespmem:s2+$0x79E8];
	_ =	sdelay $0x4  }
0xe6: {  	[tilespmem:s0+$0x168] =	vst.add.f32.msk $0xffff, v1  }
0xe7: {  	v1 =	vld [tilespmem:s2+$0x79F8];
	_ =	sdelay $0x2  }
0xe8: {  	p1 =	sgt.u32 s29, $0x270F0  }
0xe9: {  	s2 =	sand.u32 @!p1 $0x3FFF8, s29  }
0xea: {  	s3 =	sadd.s32 $0x108, s0;
	[tilespmem:s0+$0x178] =	vst.add.f32.msk $0xffff, v1;
	s0 =	sadd.s32 @!p1 s1, s2;
	s2 =	sand.u32 @!p1 $0x7, s29  }
0xeb: {  	[hbm4b:s0+s2] =	stream.linear.scatter @!p1 [tilespmem:s3], [sflag:$0xC], $0x80, $0x38;
	[tilespmem:$0x1F6F8] =	vst v63  }
0xec: {  	s0 =	simm.s32 $0x0  }
0xed: {  	s0 =	simm.s32 @!p1 $0x200  }
0xee: {  	s31 =	sadd.s32 s0, s31  }
.LBB2_16:
0xef: {  	s0 =	sadd.s32 $0x1, s22  }
0xf0: {  	s2 =	smulhi.u32 $0x88888889, s0;
	_ =	sdelay $0x1  }
0xf1: {  	v1 =	vld [tilespmem:s25+$0xFFFFFFC0];
	s2 =	sshrl.u32 s2, $0x7  }
0xf2: {  	s2 =	smul.u32 $0xF0, s2;
	_ =	sdelay $0x1  }
0xf3: {  	s22 =	ssub.s32 s0, s2  }
0xf4: {  	s0 =	sshll.u32 s22, $0x7  }
0xf5: {  	[tilespmem:s0+$0x108] =	vst v1  }
0xf6: {  	v1 =	vld [tilespmem:s25+$0xFFFFFFD0];
	_ =	sdelay $0x4  }
0xf7: {  	[tilespmem:s0+$0x118] =	vst v1  }
0xf8: {  	v1 =	vld [tilespmem:s25+$0xFFFFFFE0];
	_ =	sdelay $0x4  }
0xf9: {  	[tilespmem:s0+$0x128] =	vst v1  }
0xfa: {  	v1 =	vld [tilespmem:s25+$0xFFFFFFF0];
	_ =	sdelay $0x4  }
0xfb: {  	[tilespmem:s0+$0x138] =	vst v1  }
0xfc: {  	v1 =	vld [tilespmem:s25+$0x0];
	_ =	sdelay $0x4  }
0xfd: {  	[tilespmem:s0+$0x148] =	vst v1  }
0xfe: {  	v1 =	vld [tilespmem:s25+$0x10];
	_ =	sdelay $0x4  }
0xff: {  	[tilespmem:s0+$0x158] =	vst v1  }
0x100: {  	v1 =	vld [tilespmem:s25+$0x20];
	_ =	sdelay $0x4  }
0x101: {  	[tilespmem:s0+$0x168] =	vst v1  }
0x102: {  	v1 =	vld [tilespmem:s25+$0x30]  }
.Ltmp15:
0x103: {  	_ = 	snop;
	(pc) =	sbr.rel .LBB2_17-.Ltmp15, $2  }
0x104: {  	_ =	sdelay $0x2  }
0x105: {  	s28 =	sadd.s32 $0x1, s28;
	[tilespmem:s0+$0x178] =	vst v1  }
.LBB2_19:
.Ltmp16:
0x106: {  	(pc) =	sbr.rel .LBB2_20-.Ltmp16, $4  }
0x107: {  	_ = 	snop  }
0x108: {  	s0 =	simm.s32 $0x2  }
0x109: {  	_ =	swait.ge [sflag:s0], $0x0  }
0x10a: {  	s30 =	smov.u32 s29;
	[sflag:s0] =	ssyncset.done $0x0;
	s0 =	simm.s32 $0x0  }
.LBB2_22:
0x10b: {  	_ =	sfence.sel $0x180000  }
0x10c: {  	s0 =	simm.s32 $0x9;
	[bflag:$0x0] =	sbarrier.arrive $0xFFFF  }
0x10d: {  	s24 =	simm.s32 $0xA;
	[sflag:s0] =	ssyncpa.u1 $0x1  }
0x10e: {  	s25 =	simm.s32 $0xB;
	[sflag:s24] =	ssyncpa.u1 $0x1  }
0x10f: {  	s26 =	simm.s32 $0x2;
	[sflag:s25] =	ssyncpa.u1 $0x1  }
0x110: {  	[sflag:s26] =	ssyncpa.u1 $0x1  }
0x111: {  	v0 =	vld [tilespmem:$0xF208];
	_ =	sdelay $0x4  }
0x112: {  	(v2sf) =	vpush v0, $0x0  }
0x113: {  	(v2sf) =	vpush v0, $0x1;
	_ =	sdelay $0x1  }
0x114: {  	(v2sf) =	vpush v0, $0x2;
	_ =	sdelay $0xb  }
0x115: {  	s0 =	spop (v2sf)  }
0x116: {  	s2 =	spop (v2sf)  }
0x117: {  	s3 =	smov.u32 s0;
	p0 =	sne.s32 s0, s2  }
0x118: {  	s4 =	spop (v2sf);
	s3 =	simm.s32 @!p0 $0xFFFFFFFF  }
0x119: {  	v2 =	vimm.s32 $0x1;
	v3 =	vlaneseq.u32;
	p0 =	seq.s32 s4, $0xFFFFFFFF;
	v1 =	vmov s3  }
0x11a: {  	s16 =	stileid.u32;
	v0 =	vperm.xlane v0, v2;
	p1 =	sne.s32 @!p0 s0, s2;
	v1 =	vperm.xlane v1, v3  }
0x11b: {  	vm0 =	vcmask $0x3F04;
	s6 =	simm.s32 $0xF208;
	s0 =	simm.s32 @!p0 $0x1;
	p1 =	por !p1, p0  }
0x11c: {  	s3 =	sshll.u32 s16, $0x1;
	s2 =	sshll.u32 @!p0 s4, $0x9;
	s0 =	simm.s32 @p1 $0x0;
	v0 =	vsel vm0, v1, v0  }
0x11d: {  	s5 =	sor.u32 $0x1000, s3;
	s2 =	sshra.s32 @!p0 s2, $0x2;
	s0 =	sor.u32 @!p0 s0, s3;
	[tilespmem:$0xF208] =	vst v0  }
0x11e: {  	[spmem:s5] =	stream.linear.scatter [tilespmem:s6], [sflag:$0x1], $0x2, $0x38;
	[tilespmem:$0x1F6F8] =	vst v63  }
0x11f: {  	s2 =	sadd.s32 @!p0 $0x108, s2;
	s0 =	sshll.u32 @!p0 s0, $0x7  }
0x120: {  	[spmem:s0] =	stream.linear.scatter @!p0 [tilespmem:s2], [sflag:$0x1], $0x80, $0x38;
	[tilespmem:$0x1F6F8] =	vst v63  }
0x121: {  	s0 =	simm.s32 @!p0 $0x82  }
0x122: {  	s28 =	simm.s32 $0x1;
	s0 =	simm.s32 @p0 $0x2  }
0x123: {  	_ =	swait.ge [sflag:s28], s0  }
0x124: {  	s0 =	ssub.s32 $0x0, s0;
	[sflag:s28] =	ssyncset.done $0x0  }
0x125: {  	p0 =	sne.s32 s16, $0x0;
	[sflag:s28] =	ssyncadd.s32 s0  }
.Ltmp17:
0x126: {  	_ =	sfence.stream.spmem;
	(pc) =	sbr.rel @p0 .LBB2_39-.Ltmp17, $4  }
0x127: {  	s29 =	simm.s32 $0x3;
	[bflag:$0x0] =	sbarrier.arrive $0xFFFF  }
0x128: {  	s30 =	simm.s32 $0x4;
	[sflag:s29] =	ssyncpa.u1 $0x1  }
0x129: {  	s31 =	simm.s32 $0x3C;
	[sflag:s30] =	ssyncpa.u1 $0x1  }
0x12a: {  	s15 =	rddreg [dreg:$0x6];
	[sflag:s31] =	ssyncpa.u1 $0x1  }
0x12b: {  	_ =	sfence.stream.spmem;
	s0 =	simm.s32 $0x5  }
0x12c: {  	s2 =	simm.s32 $0x1000;
	s3 =	simm.s32 $0xF218;
	[sflag:s0] =	ssyncpa.u1 $0x0  }
0x12d: {  	[tilespmem:s3], [sflag:$0x5] =	stream.linear.gather [spmem:s2], $0x20, $0x38;
	[tilespmem:$0x1F6F8] =	vst v63  }
0x12e: {  	s26 =	simm.s32 $0x0;
	s28 =	simm.s32 $0xF238  }
0x12f: {  	[tilespmem:s28], [sflag:$0x5] =	stream.linear.gather [spmem:s26], $0x1000, $0x38;
	[tilespmem:$0x1F6F8] =	vst v63  }
0x130: {  	_ =	swait.ge [sflag:s0], $0x1020  }
0x131: {  	[sflag:s0] =	ssyncset.done $0x0  }
0x132: {  	s29 =	simm.s32 $0x0;
	[sflag:s0] =	ssyncadd.s32 $0xFFFFEFE0  }
0x133: {  	v0 =	vld.msk [tilespmem:s29+$0xF218], $0x1;
	_ =	sdelay $0x1  }
0x134: {  	s30 =	simm.s32 $0x1  }
0x135: {  	v1 =	vld.msk [tilespmem:s30+$0xF218], $0x1;
	_ =	sdelay $0x1  }
0x136: {  	(v2sf) =	vpush v0, $0x0;
	_ =	sdelay $0x2  }
0x137: {  	(v2sf) =	vpush v1, $0x0;
	_ =	sdelay $0x2  }
0x138: {  	s31 =	simm.s32 $0x2  }
0x139: {  	v0 =	vld.msk [tilespmem:s31+$0xF218], $0x1;
	_ =	sdelay $0x2  }
0x13a: {  	s4 =	simm.s32 $0xFFFFFFFF;
	s5 =	simm.s32 $0xFFFFFFFF;
	s0 =	simm.s32 $0xC  }
.LBB2_24:
0x13b: {  	s2 =	smov.u32 s5;
	s3 =	smov.u32 s4  }
0x13c: {  	s4 =	sshra.s32 s0, $0x2;
	p1 =	sne.s32 s0, $0x7C;
	s0 =	sadd.s32 $0x4, s0;
	(v2sf) =	vpush v0, $0x0  }
0x13d: {  	v0 =	vld.msk [tilespmem:s4+$0xF218], $0x1  }
.Ltmp18:
0x13e: {  	(pc) =	sbr.rel @p1 .LBB2_24-.Ltmp18, $4  }
0x13f: {  	s5 =	spop (v2sf)  }
0x140: {  	p2 =	sne.s32 s3, $0xFFFFFFFF;
	s4 =	smov.u32 s5  }
0x141: {  	p3 =	seq.s32 s5, $0xFFFFFFFF;
	s4 =	smov.u32 @p2 s3  }
0x142: {  	s5 =	smov.u32 @p3 s2;
	s4 =	smov.u32 @p3 s3  }
0x143: {  	(v2sf) =	vpush v0, $0x0;
	_ =	sdelay $0x8  }
0x144: {  	s0 =	spop (v2sf)  }
0x145: {  	p1 =	sne.s32 s4, $0xFFFFFFFF;
	s2 =	smov.u32 s0  }
0x146: {  	s9 =	simm.s32 $0x6;
	p2 =	seq.s32 s0, $0xFFFFFFFF;
	s2 =	smov.u32 @p1 s4  }
0x147: {  	s6 =	simm.s32 $0x0;
	s2 =	smov.u32 @p2 s4;
	s3 =	spop (v2sf)  }
0x148: {  	s0 =	smov.u32 @p2 s5;
	p1 =	sne.s32 s2, $0xFFFFFFFF;
	s4 =	smov.u32 s3  }
.Ltmp19:
0x149: {  	p2 =	seq.s32 s3, $0xFFFFFFFF;
	s4 =	smov.u32 @p1 s2;
	(pc) =	sbr.rel .LBB2_26-.Ltmp19, $4  }
0x14a: {  	s10 =	simm.s32 $0xF188;
	s4 =	smov.u32 @p2 s2;
	s7 =	spop (v2sf)  }
0x14b: {  	s11 =	simm.s32 $0x0;
	p1 =	sne.s32 s4, $0xFFFFFFFF;
	s8 =	smov.u32 s7  }
0x14c: {  	s3 =	smov.u32 @p2 s0;
	p2 =	seq.s32 s7, $0xFFFFFFFF;
	s8 =	smov.u32 @p1 s4  }
0x14d: {  	[sflag:s9] =	ssyncpa.u1 $0x0;
	s7 =	smov.u32 @p2 s3;
	s8 =	smov.u32 @p2 s4  }
.LBB2_32:
0x14e: {  	p1 =	sgt.u32 s12, $0x270F0  }
0x14f: {  	p2 =	seq.s32 @!p1 s12, s8  }
0x150: {  	p1 =	por p1, p2  }
0x151: {  	p2 =	sne.s32 @!p1 s12, s7  }
0x152: {  	p1 =	por p1, !p2  }
0x153: {  	s0 =	sshll.u32 @p1 s11, $0x9  }
0x154: {  	s0 =	sand.u32 @!p1 $0x3FFF8, s12  }
0x155: {  	s2 =	sand.u32 @!p1 $0x7, s12;
	s0 =	sadd.s32 @!p1 s1, s0  }
0x156: {  	[tilespmem:s10], [sflag:$0x6] =	stream.linear.gather @!p1 [hbm4b:s0+s2], $0x80, $0x38;
	[tilespmem:$0x1F6F8] =	vst v63  }
0x157: {  	_ =	swait.ge @!p1 [sflag:s9], $0x80  }
0x158: {  	[sflag:s9] =	ssyncset.done @!p1 $0x0  }
0x159: {  	[sflag:s9] =	ssyncadd.s32 @!p1 $0xFFFFFF80  }
0x15a: {  	v1 =	vld @!p1 [tilespmem:$0xF188];
	_ =	sdelay $0x2  }
0x15b: {  	s0 =	sshll.u32 @!p1 s11, $0x9  }
0x15c: {  	s2 =	sshrl.u32 @!p1 s0, $0x2  }
0x15d: {  	[tilespmem:s2+$0xF238] =	vst.add.f32.msk @!p1 $0xffff, v1  }
0x15e: {  	v1 =	vld @!p1 [tilespmem:$0xF198];
	_ =	sdelay $0x4  }
0x15f: {  	[tilespmem:s2+$0xF248] =	vst.add.f32.msk @!p1 $0xffff, v1  }
0x160: {  	v1 =	vld @!p1 [tilespmem:$0xF1A8];
	_ =	sdelay $0x4  }
0x161: {  	[tilespmem:s2+$0xF258] =	vst.add.f32.msk @!p1 $0xffff, v1  }
0x162: {  	v1 =	vld @!p1 [tilespmem:$0xF1B8];
	_ =	sdelay $0x4  }
0x163: {  	[tilespmem:s2+$0xF268] =	vst.add.f32.msk @!p1 $0xffff, v1  }
0x164: {  	v1 =	vld @!p1 [tilespmem:$0xF1C8];
	_ =	sdelay $0x4  }
0x165: {  	[tilespmem:s2+$0xF278] =	vst.add.f32.msk @!p1 $0xffff, v1  }
0x166: {  	v1 =	vld @!p1 [tilespmem:$0xF1D8];
	_ =	sdelay $0x4  }
0x167: {  	[tilespmem:s2+$0xF288] =	vst.add.f32.msk @!p1 $0xffff, v1  }
0x168: {  	v1 =	vld @!p1 [tilespmem:$0xF1E8];
	_ =	sdelay $0x4  }
0x169: {  	[tilespmem:s2+$0xF298] =	vst.add.f32.msk @!p1 $0xffff, v1  }
0x16a: {  	v1 =	vld @!p1 [tilespmem:$0xF1F8];
	_ =	sdelay $0x4  }
0x16b: {  	[tilespmem:s2+$0xF2A8] =	vst.add.f32.msk @!p1 $0xffff, v1  }
0x16c: {  	s0 =	sshrl.u32 s0, $0x2;
	[tilespmem:s6+$0xF218] =	vst.msk $0x1, v0  }
0x16d: {  	v0 =	vld [tilespmem:s0+$0xF238];
	_ =	sdelay $0x2  }
0x16e: {  	s31 =	sshll.u32 s6, $0x9  }
0x16f: {  	s2 =	sshra.s32 s31, $0x2  }
0x170: {  	[tilespmem:s2+$0xF238] =	vst v0  }
0x171: {  	v0 =	vld [tilespmem:s0+$0xF248];
	_ =	sdelay $0x4  }
0x172: {  	[tilespmem:s2+$0xF248] =	vst v0  }
0x173: {  	v0 =	vld [tilespmem:s0+$0xF258];
	_ =	sdelay $0x4  }
0x174: {  	[tilespmem:s2+$0xF258] =	vst v0  }
0x175: {  	v0 =	vld [tilespmem:s0+$0xF268];
	_ =	sdelay $0x4  }
0x176: {  	[tilespmem:s2+$0xF268] =	vst v0  }
0x177: {  	v0 =	vld [tilespmem:s0+$0xF278];
	_ =	sdelay $0x4  }
0x178: {  	[tilespmem:s2+$0xF278] =	vst v0  }
0x179: {  	v0 =	vld [tilespmem:s0+$0xF288];
	_ =	sdelay $0x4  }
0x17a: {  	[tilespmem:s2+$0xF288] =	vst v0  }
0x17b: {  	v0 =	vld [tilespmem:s0+$0xF298];
	_ =	sdelay $0x4  }
0x17c: {  	[tilespmem:s2+$0xF298] =	vst v0  }
0x17d: {  	v0 =	vld [tilespmem:s0+$0xF2A8];
	_ =	sdelay $0x4  }
0x17e: {  	s6 =	sadd.s32 $0x1, s6;
	[tilespmem:s2+$0xF2A8] =	vst v0  }
.LBB2_33:
0x17f: {  	s11 =	sadd.s32 $0x1, s11  }
0x180: {  	p1 =	sne.s32 s11, $0x20  }
.Ltmp20:
0x181: {  	_ = 	snop;
	(pc) =	sbr.rel @!p1 .LBB2_34-.Ltmp20, $1  }
0x182: {  	_ =	sdelay $0x3  }
.LBB2_26:
0x183: {  	v0 =	vld.msk [tilespmem:s11+$0xF218], $0x1;
	_ =	sdelay $0x4  }
0x184: {  	(v2sf) =	vpush v0, $0x0;
	_ =	sdelay $0xe  }
0x185: {  	s12 =	spop (v2sf)  }
0x186: {  	p1 =	seq.s32 s12, $0xFFFFFFFF  }
.Ltmp21:
0x187: {  	_ = 	snop;
	(pc) =	sbr.rel @p1 .LBB2_33-.Ltmp21, $1  }
0x188: {  	_ =	sdelay $0x3  }
0x189: {  	p1 =	slt.s32 s6, $0x1  }
.Ltmp22:
0x18a: {  	_ = 	snop;
	(pc) =	sbr.rel @p1 .LBB2_32-.Ltmp22, $1  }
0x18b: {  	_ =	sdelay $0x3  }
0x18c: {  	s13 =	simm.s32 $0xF218;
	p1 =	por $0x0, $0x0  }
0x18d: {  	v1 =	vld.msk @!p1 [tilespmem:s13+$0x0], $0x1;
	_ =	sdelay $0x4  }
0x18e: {  	(v2sf) =	vpush @!p1 v1, $0x0;
	_ =	sdelay $0xd  }
0x18f: {  	p3 =	sne.s32 s6, $0x1  }
.Ltmp23:
0x190: {  	s0 =	spop @!p1 (v2sf);
	(pc) =	sbr.rel @!p3 .LBB2_30-.Ltmp23, $4  }
0x191: {  	p2 =	seq.s32 @!p1 s12, s0  }
0x192: {  	s14 =	simm.s32 $0x0;
	p2 =	por !p2, p1  }
0x193: {  	s2 =	simm.s32 $0xFFFFFFFF;
	s14 =	simm.s32 @p2 $0xFFFFFFFF  }
0x194: {  	s0 =	simm.s32 $0x1;
	s14 =	smov.u32 @p1 s2  }
.LBB2_29:
0x195: {  	s2 =	smov.u32 s14;
	p1 =	sne.s32 s14, $0xFFFFFFFF  }
0x196: {  	s13 =	sadd.s32 $0x1, s13;
	s14 =	smov.u32 s0;
	s0 =	sadd.s32 $0x1, s0  }
0x197: {  	p2 =	sne.s32 s6, s0;
	v1 =	vld.msk @!p1 [tilespmem:s13+$0x0], $0x1;
	_ =	sdelay $0x4  }
0x198: {  	(v2sf) =	vpush @!p1 v1, $0x0;
	_ =	sdelay $0xe  }
.Ltmp24:
0x199: {  	s3 =	spop @!p1 (v2sf);
	(pc) =	sbr.rel @p2 .LBB2_29-.Ltmp24, $4  }
0x19a: {  	p3 =	seq.s32 @!p1 s12, s3  }
0x19b: {  	p3 =	por !p3, p1  }
0x19c: {  	s14 =	simm.s32 @p3 $0xFFFFFFFF  }
0x19d: {  	s14 =	smov.u32 @p1 s2  }
.LBB2_30:
0x19e: {  	p1 =	seq.s32 s14, $0xFFFFFFFF  }
.Ltmp25:
0x19f: {  	_ = 	snop;
	(pc) =	sbr.rel @p1 .LBB2_32-.Ltmp25, $1  }
0x1a0: {  	_ =	sdelay $0x3  }
0x1a1: {  	s0 =	sshll.u32 s11, $0x7  }
0x1a2: {  	s0 =	sand.u32 $0x3FFFFF80, s0  }
0x1a3: {  	v0 =	vld [tilespmem:s0+$0xF238];
	_ =	sdelay $0x2  }
0x1a4: {  	s2 =	sshll.u32 s14, $0x9  }
0x1a5: {  	s2 =	sshra.s32 s2, $0x2  }
0x1a6: {  	[tilespmem:s2+$0xF238] =	vst.add.f32.msk $0xffff, v0  }
0x1a7: {  	v0 =	vld [tilespmem:s0+$0xF248];
	_ =	sdelay $0x4  }
0x1a8: {  	[tilespmem:s2+$0xF248] =	vst.add.f32.msk $0xffff, v0  }
0x1a9: {  	v0 =	vld [tilespmem:s0+$0xF258];
	_ =	sdelay $0x4  }
0x1aa: {  	[tilespmem:s2+$0xF258] =	vst.add.f32.msk $0xffff, v0  }
0x1ab: {  	v0 =	vld [tilespmem:s0+$0xF268];
	_ =	sdelay $0x4  }
0x1ac: {  	[tilespmem:s2+$0xF268] =	vst.add.f32.msk $0xffff, v0  }
0x1ad: {  	v0 =	vld [tilespmem:s0+$0xF278];
	_ =	sdelay $0x4  }
0x1ae: {  	[tilespmem:s2+$0xF278] =	vst.add.f32.msk $0xffff, v0  }
0x1af: {  	v0 =	vld [tilespmem:s0+$0xF288];
	_ =	sdelay $0x4  }
0x1b0: {  	[tilespmem:s2+$0xF288] =	vst.add.f32.msk $0xffff, v0  }
0x1b1: {  	v0 =	vld [tilespmem:s0+$0xF298];
	_ =	sdelay $0x4  }
0x1b2: {  	[tilespmem:s2+$0xF298] =	vst.add.f32.msk $0xffff, v0  }
0x1b3: {  	v0 =	vld [tilespmem:s0+$0xF2A8]  }
.Ltmp26:
0x1b4: {  	_ = 	snop;
	(pc) =	sbr.rel .LBB2_33-.Ltmp26, $2  }
0x1b5: {  	_ =	sdelay $0x2  }
0x1b6: {  	[tilespmem:s2+$0xF2A8] =	vst.add.f32.msk $0xffff, v0  }
.LBB2_34:
0x1b7: {  	s0 =	simm.s32 $0x6;
	p1 =	seq.s32 s6, $0x0  }
0x1b8: {  	[sflag:s0] =	ssyncpa.u1 $0x1;
	v0 =	vimm.s32 @p1 $0xFFFFFFFF  }
0x1b9: {  	s9 =	sadd.s32 $0xFFFFFFFF, s6;
	[tilespmem:$0x10238] =	vst @p1 v0  }
0x1ba: {  	v0 =	vld.msk @!p1 [tilespmem:s9+$0xF218], $0x1;
	_ =	sdelay $0x1  }
0x1bb: {  	v1 =	vld.msk @!p1 [tilespmem:$0xF218], $0x1;
	_ =	sdelay $0x2  }
0x1bc: {  	p2 =	seq.s32 @!p1 s9, $0x0;
	v0 =	vbroadcast @!p1 v0, $0x0  }
0x1bd: {  	vm0 =	vmmov @!p1 $0x1;
	p2 =	por !p2, p1  }
0x1be: {  	v1 =	vnsel @!p1 vm0, $0xFFFFFFFF, v1;
	vm0 =	vcmask @!p1 $0x308;
	v0 =	vpsel !p2, $0xFFFFFFFF, v0  }
0x1bf: {  	p2 =	sne.s32 @!p1 s8, s7;
	v0 =	vsel @!p1 vm0, v1, v0  }
0x1c0: {  	s0 =	simm.s32 @!p1 $0xF238;
	s2 =	simm.s32 @!p1 $0x0;
	p3 =	por !p2, p1;
	[tilespmem:$0x10238] =	vst @!p1 v0  }
0x1c1: {  	[spmem:s2] =	stream.linear.scatter @!p1 [tilespmem:s0], [sflag:$0x1], $0x80, $0x38;
	[tilespmem:$0x1F6F8] =	vst v63  }
0x1c2: {  	s0 =	sshll.u32 @!p3 s9, $0x9  }
0x1c3: {  	s0 =	sshra.s32 @!p3 s0, $0x2  }
0x1c4: {  	s2 =	simm.s32 @!p3 $0x80;
	s0 =	sadd.s32 @!p3 $0xF238, s0  }
0x1c5: {  	[spmem:s2] =	stream.linear.scatter @!p3 [tilespmem:s0], [sflag:$0x1], $0x80, $0x38;
	[tilespmem:$0x1F6F8] =	vst v63  }
0x1c6: {  	s0 =	simm.s32 @!p3 $0x1  }
0x1c7: {  	_ =	swait.ge @!p3 [sflag:s0], $0x100  }
0x1c8: {  	p1 =	por p2, p1;
	[sflag:s0] =	ssyncset.done @!p3 $0x0  }
0x1c9: {  	[sflag:s0] =	ssyncadd.s32 @!p3 $0xFFFFFF00;
	s0 =	simm.s32 @!p1 $0x1  }
0x1ca: {  	_ =	swait.ge @!p1 [sflag:s0], $0x80  }
0x1cb: {  	s29 =	simm.s32 $0x10238;
	[sflag:s0] =	ssyncset.done @!p1 $0x0  }
0x1cc: {  	s30 =	simm.s32 $0x1000;
	s31 =	simm.s32 $0x1;
	[sflag:s0] =	ssyncadd.s32 @!p1 $0xFFFFFF80  }
0x1cd: {  	[spmem:s30] =	stream.linear.scatter [tilespmem:s29], [sflag:$0x1], $0x10, $0x38;
	[tilespmem:$0x1F6F8] =	vst v63  }
0x1ce: {  	_ =	swait.ge [sflag:s31], $0x10  }
0x1cf: {  	[sflag:s31] =	ssyncset.done $0x0  }
0x1d0: {  	p1 =	seq.s32 s15, $0x0;
	s8 =	rddreg [dreg:$0x3];
	[sflag:s31] =	ssyncadd.s32 $0xFFFFFFF0  }
0x1d1: {  	s2 =	sshll.u32 @p1 s8, $0xE;
	s7 =	rddreg [dreg:$0x4]  }
0x1d2: {  	s0 =	sadd.s32 @p1 $0x15C3C, s2;
	s2 =	sshll.u32 @p1 s7, $0x11  }
0x1d3: {  	_ =	sfence.stream.spmem;
	s0 =	sor.u32 @p1 s2, s0  }
0x1d4: {  	[sflag:s0] =	ssyncadd.remote.s32 @p1 $0x1;
	s0 =	simm.s32 @p1 $0x4  }
0x1d5: {  	s3 =	simm.s32 @!p1 $0x3C;
	s2 =	sand.u32 $0xFFFFFFFE, s8;
	_ =	swait.ge @p1 [sflag:s0], $0x22  }
0x1d6: {  	s4 =	simm.s32 @!p1 $0x0;
	s2 =	sadd.s32 @!p1 $0x4, s2;
	[sflag:s0] =	ssyncset.done @p1 $0x0  }
0x1d7: {  	s5 =	simm.s32 @!p1 $0x100;
	[sflag:s0] =	ssyncadd.s32 @p1 $0xFFFFFFDE;
	s0 =	sshll.u32 @!p1 s2, $0x1A  }
0x1d8: {  	s2 =	sshll.u32 @!p1 s2, $0xD;
	s0 =	sor.u32 @!p1 s0, s7;
	_ =	swait.eq @!p1 [sflag:s3], $0x1  }
0x1d9: {  	s2 =	sor.u32 @!p1 $0x1C04, s2;
	s3 =	simm.s32 @!p1 $0x1C03;
	s0 =	sor.u32 @!p1 $0x80004000, s0  }
0x1da: {  	[spmem:s5], [sflag:s2] =	dma.general @!p1 [spmem:s4], [sflag:s3], length:$0x20, [dreg:$0x0], stride_count:$0x0, ici_dest:s0, dma_misc:DstOpCode:WRITE  }
0x1db: {  	p2 =	slt.s32 s9, $0x2;
	s4 =	simm.s32 @!p1 $0x200;
	s5 =	simm.s32 @!p1 $0x202  }
0x1dc: {  	[spmem:s5], [sflag:s2] =	dma.general @!p1 [spmem:s4], [sflag:s3], length:$0x2, [dreg:$0x0], stride_count:$0x0, ici_dest:s0, dma_misc:DstOpCode:WRITE  }
.Ltmp27:
0x1dd: {  	s0 =	simm.s32 @!p1 $0x3;
	(pc) =	sbr.rel @p2 .LBB2_38-.Ltmp27, $4  }
0x1de: {  	s2 =	sshll.u32 @!p1 s8, $0xE;
	_ =	swait.ge @!p1 [sflag:s0], $0x22  }
0x1df: {  	s3 =	sshll.u32 @!p1 s7, $0x11;
	s2 =	sadd.s32 @!p1 $0x11C3C, s2;
	[sflag:s0] =	ssyncset.done @!p1 $0x0  }
0x1e0: {  	[sflag:s0] =	ssyncadd.s32 @!p1 $0xFFFFFFDE;
	s0 =	sor.u32 @!p1 s3, s2  }
0x1e1: {  	[sflag:s0] =	ssyncadd.remote.s32 @!p1 $0xFFFFFFFF;
	s0 =	simm.s32 $0x0  }
0x1e2: {  	s0 =	simm.s32 $0xF219  }
0x1e3: {  	v0 =	vld.msk [tilespmem:s0+$0x0], $0x1;
	_ =	sdelay $0x4  }
0x1e4: {  	(v2sf) =	vpush v0, $0x0;
	_ =	sdelay $0xb  }
0x1e5: {  	s31 =	sadd.s32 $0xFFFFFFFE, s6  }
0x1e6: {  	s0 =	sadd.s32 $0xFFFFFFFF, s31  }
0x1e7: {  	p2 =	sne.s32 s0, $0x0  }
.Ltmp28:
0x1e8: {  	s2 =	spop (v2sf);
	(pc) =	sbr.rel @!p2 .LBB2_37-.Ltmp28, $4  }
0x1e9: {  	s4 =	simm.s32 $0xF2B8;
	s7 =	simm.s32 $0x0;
	p1 =	sgt.u32 s2, $0x270F0  }
0x1ea: {  	s5 =	simm.s32 $0x0;
	s6 =	simm.s32 $0xF21A;
	s3 =	sand.u32 @!p1 $0x3FFF8, s2  }
0x1eb: {  	s2 =	sand.u32 @!p1 $0x7, s2;
	s7 =	simm.s32 @!p1 $0x200;
	s3 =	sadd.s32 @!p1 s1, s3  }
0x1ec: {  	[hbm4b:s3+s2] =	stream.linear.scatter @!p1 [tilespmem:s4], [sflag:$0x5], $0x80, $0x38;
	[tilespmem:$0x1F6F8] =	vst v63  }
.LBB2_36:
0x1ed: {  	v0 =	vld.msk [tilespmem:s6+$0x0], $0x1;
	s0 =	sadd.s32 $0xFFFFFFFF, s0;
	s5 =	sadd.s32 s5, s7  }
0x1ee: {  	p1 =	sne.s32 s0, $0x0;
	_ =	sdelay $0x3  }
0x1ef: {  	(v2sf) =	vpush v0, $0x0;
	_ =	sdelay $0xe  }
.Ltmp29:
0x1f0: {  	s2 =	spop (v2sf);
	(pc) =	sbr.rel @p1 .LBB2_36-.Ltmp29, $4  }
0x1f1: {  	s7 =	simm.s32 $0x0;
	p2 =	sgt.u32 s2, $0x270F0  }
0x1f2: {  	s4 =	sadd.s32 $0x80, s4;
	s7 =	simm.s32 @!p2 $0x200;
	s3 =	sand.u32 @!p2 $0x3FFF8, s2  }
0x1f3: {  	s6 =	sadd.s32 $0x1, s6;
	s2 =	sand.u32 @!p2 $0x7, s2;
	s3 =	sadd.s32 @!p2 s1, s3  }
0x1f4: {  	[hbm4b:s3+s2] =	stream.linear.scatter @!p2 [tilespmem:s4], [sflag:$0x5], $0x80, $0x38;
	[tilespmem:$0x1F6F8] =	vst v63  }
.LBB2_37:
0x1f5: {  	s0 =	sadd.s32 s5, s7  }
0x1f6: {  	s0 =	sshrl.u32 s0, $0x2  }
.LBB2_38:
0x1f7: {  	s2 =	simm.s32 $0x5  }
0x1f8: {  	_ =	swait.ge [sflag:s2], s0  }
0x1f9: {  	s31 =	ssub.s32 $0x0, s0;
	[sflag:s2] =	ssyncset.done $0x0  }
0x1fa: {  	[sflag:s2] =	ssyncadd.s32 s31  }
0x1fb: {  	[sflag:s2] =	ssyncpa.u1 $0x1  }
.LBB2_39:
0x1fc: {  	s0 =	sor.u32 s15, s16  }
0x1fd: {  	p1 =	sne.s32 s0, $0x0  }
.Ltmp30:
0x1fe: {  	_ = 	snop;
	(pc) =	sbr.rel @p1 .LBB2_54-.Ltmp30, $3  }
0x1ff: {  	_ =	sdelay $0x1  }
0x200: {  	[bflag:$0x0] =	sbarrier.arrive $0xFFFF  }
0x201: {  	_ =	sfence  }
0x202: {  	s0 =	simm.s32 $0x7  }
0x203: {  	s2 =	simm.s32 $0x1000;
	s3 =	simm.s32 $0xF218;
	[sflag:s0] =	ssyncpa.u1 $0x0  }
0x204: {  	[tilespmem:s3], [sflag:$0x7] =	stream.linear.gather [spmem:s2], $0x20, $0x38;
	[tilespmem:$0x1F6F8] =	vst v63  }
0x205: {  	s30 =	simm.s32 $0xF238;
	s2 =	simm.s32 $0x0  }
0x206: {  	[tilespmem:s30], [sflag:$0x7] =	stream.linear.gather [spmem:s2], $0x1000, $0x38;
	[tilespmem:$0x1F6F8] =	vst v63  }
.Ltmp31:
0x207: {  	_ = 	snop;
	(pc) =	sbr.rel .LBB2_41-.Ltmp31, $4  }
0x208: {  	_ =	swait.ge [sflag:s0], $0x1020  }
0x209: {  	[sflag:s0] =	ssyncset.done $0x0  }
0x20a: {  	s31 =	simm.s32 $0x8;
	[sflag:s0] =	ssyncadd.s32 $0xFFFFEFE0  }
0x20b: {  	s3 =	simm.s32 $0x0;
	[sflag:s31] =	ssyncpa.u1 $0x0  }
.LBB2_47:
0x20c: {  	p1 =	slt.u32 s4, $0x270F1  }
0x20d: {  	s0 =	sand.u32 @p1 $0x3FFF8, s4  }
0x20e: {  	s4 =	sand.u32 @p1 $0x7, s4;
	s5 =	simm.s32 @p1 $0xF188;
	s0 =	sadd.s32 @p1 s1, s0  }
0x20f: {  	[tilespmem:s5], [sflag:$0x8] =	stream.linear.gather @p1 [hbm4b:s0+s4], $0x80, $0x38;
	[tilespmem:$0x1F6F8] =	vst v63  }
0x210: {  	s0 =	simm.s32 @p1 $0x8  }
0x211: {  	_ =	swait.ge @p1 [sflag:s0], $0x80  }
0x212: {  	[sflag:s0] =	ssyncset.done @p1 $0x0  }
0x213: {  	[sflag:s0] =	ssyncadd.s32 @p1 $0xFFFFFF80  }
0x214: {  	v1 =	vld @p1 [tilespmem:$0xF188];
	_ =	sdelay $0x2  }
0x215: {  	s0 =	sshll.u32 @p1 s3, $0x9  }
0x216: {  	s4 =	sshrl.u32 @p1 s0, $0x2  }
0x217: {  	[tilespmem:s4+$0xF238] =	vst.add.f32.msk @p1 $0xffff, v1  }
0x218: {  	v1 =	vld @p1 [tilespmem:$0xF198];
	_ =	sdelay $0x4  }
0x219: {  	[tilespmem:s4+$0xF248] =	vst.add.f32.msk @p1 $0xffff, v1  }
0x21a: {  	v1 =	vld @p1 [tilespmem:$0xF1A8];
	_ =	sdelay $0x4  }
0x21b: {  	[tilespmem:s4+$0xF258] =	vst.add.f32.msk @p1 $0xffff, v1  }
0x21c: {  	v1 =	vld @p1 [tilespmem:$0xF1B8];
	_ =	sdelay $0x4  }
0x21d: {  	[tilespmem:s4+$0xF268] =	vst.add.f32.msk @p1 $0xffff, v1  }
0x21e: {  	v1 =	vld @p1 [tilespmem:$0xF1C8];
	_ =	sdelay $0x4  }
0x21f: {  	[tilespmem:s4+$0xF278] =	vst.add.f32.msk @p1 $0xffff, v1  }
0x220: {  	v1 =	vld @p1 [tilespmem:$0xF1D8];
	_ =	sdelay $0x4  }
0x221: {  	[tilespmem:s4+$0xF288] =	vst.add.f32.msk @p1 $0xffff, v1  }
0x222: {  	v1 =	vld @p1 [tilespmem:$0xF1E8];
	_ =	sdelay $0x4  }
0x223: {  	[tilespmem:s4+$0xF298] =	vst.add.f32.msk @p1 $0xffff, v1  }
0x224: {  	v1 =	vld @p1 [tilespmem:$0xF1F8];
	_ =	sdelay $0x3  }
0x225: {  	s5 =	sshll.u32 @!p1 s3, $0x9  }
0x226: {  	s5 =	smov.u32 @p1 s0;
	[tilespmem:s4+$0xF2A8] =	vst.add.f32.msk @p1 $0xffff, v1  }
0x227: {  	s0 =	sshrl.u32 s5, $0x2;
	[tilespmem:s2+$0xF218] =	vst.msk $0x1, v0  }
0x228: {  	v0 =	vld [tilespmem:s0+$0xF238];
	_ =	sdelay $0x2  }
0x229: {  	s31 =	sshll.u32 s2, $0x9  }
0x22a: {  	s4 =	sshra.s32 s31, $0x2  }
0x22b: {  	[tilespmem:s4+$0xF238] =	vst v0  }
0x22c: {  	v0 =	vld [tilespmem:s0+$0xF248];
	_ =	sdelay $0x4  }
0x22d: {  	[tilespmem:s4+$0xF248] =	vst v0  }
0x22e: {  	v0 =	vld [tilespmem:s0+$0xF258];
	_ =	sdelay $0x4  }
0x22f: {  	[tilespmem:s4+$0xF258] =	vst v0  }
0x230: {  	v0 =	vld [tilespmem:s0+$0xF268];
	_ =	sdelay $0x4  }
0x231: {  	[tilespmem:s4+$0xF268] =	vst v0  }
0x232: {  	v0 =	vld [tilespmem:s0+$0xF278];
	_ =	sdelay $0x4  }
0x233: {  	[tilespmem:s4+$0xF278] =	vst v0  }
0x234: {  	v0 =	vld [tilespmem:s0+$0xF288];
	_ =	sdelay $0x4  }
0x235: {  	[tilespmem:s4+$0xF288] =	vst v0  }
0x236: {  	v0 =	vld [tilespmem:s0+$0xF298];
	_ =	sdelay $0x4  }
0x237: {  	[tilespmem:s4+$0xF298] =	vst v0  }
0x238: {  	v0 =	vld [tilespmem:s0+$0xF2A8];
	_ =	sdelay $0x4  }
0x239: {  	s2 =	sadd.s32 $0x1, s2;
	[tilespmem:s4+$0xF2A8] =	vst v0  }
.LBB2_48:
0x23a: {  	s3 =	sadd.s32 $0x1, s3  }
0x23b: {  	p1 =	sne.s32 s3, $0x20  }
.Ltmp32:
0x23c: {  	_ = 	snop;
	(pc) =	sbr.rel @!p1 .LBB2_49-.Ltmp32, $1  }
0x23d: {  	_ =	sdelay $0x3  }
.LBB2_41:
0x23e: {  	v0 =	vld.msk [tilespmem:s3+$0xF218], $0x1;
	_ =	sdelay $0x4  }
0x23f: {  	(v2sf) =	vpush v0, $0x0;
	_ =	sdelay $0xe  }
0x240: {  	s4 =	spop (v2sf)  }
0x241: {  	p1 =	seq.s32 s4, $0xFFFFFFFF  }
.Ltmp33:
0x242: {  	_ = 	snop;
	(pc) =	sbr.rel @p1 .LBB2_48-.Ltmp33, $1  }
0x243: {  	_ =	sdelay $0x3  }
0x244: {  	p1 =	slt.s32 s2, $0x1  }
.Ltmp34:
0x245: {  	_ = 	snop;
	(pc) =	sbr.rel @p1 .LBB2_47-.Ltmp34, $1  }
0x246: {  	_ =	sdelay $0x3  }
0x247: {  	s5 =	simm.s32 $0xF218;
	p1 =	por $0x0, $0x0  }
0x248: {  	v1 =	vld.msk @!p1 [tilespmem:s5+$0x0], $0x1;
	_ =	sdelay $0x4  }
0x249: {  	(v2sf) =	vpush @!p1 v1, $0x0;
	_ =	sdelay $0xd  }
0x24a: {  	p3 =	sne.s32 s2, $0x1  }
.Ltmp35:
0x24b: {  	s0 =	spop @!p1 (v2sf);
	(pc) =	sbr.rel @!p3 .LBB2_45-.Ltmp35, $4  }
0x24c: {  	p2 =	seq.s32 @!p1 s4, s0  }
0x24d: {  	s6 =	simm.s32 $0x0;
	p2 =	por !p2, p1  }
0x24e: {  	s7 =	simm.s32 $0xFFFFFFFF;
	s6 =	simm.s32 @p2 $0xFFFFFFFF  }
0x24f: {  	s0 =	simm.s32 $0x1;
	s6 =	smov.u32 @p1 s7  }
.LBB2_44:
0x250: {  	s7 =	smov.u32 s6;
	p1 =	sne.s32 s6, $0xFFFFFFFF  }
0x251: {  	s5 =	sadd.s32 $0x1, s5;
	s6 =	smov.u32 s0;
	s0 =	sadd.s32 $0x1, s0  }
0x252: {  	p2 =	sne.s32 s2, s0;
	v1 =	vld.msk @!p1 [tilespmem:s5+$0x0], $0x1;
	_ =	sdelay $0x4  }
0x253: {  	(v2sf) =	vpush @!p1 v1, $0x0;
	_ =	sdelay $0xe  }
.Ltmp36:
0x254: {  	s8 =	spop @!p1 (v2sf);
	(pc) =	sbr.rel @p2 .LBB2_44-.Ltmp36, $4  }
0x255: {  	p3 =	seq.s32 @!p1 s4, s8  }
0x256: {  	p3 =	por !p3, p1  }
0x257: {  	s6 =	simm.s32 @p3 $0xFFFFFFFF  }
0x258: {  	s6 =	smov.u32 @p1 s7  }
.LBB2_45:
0x259: {  	p1 =	seq.s32 s6, $0xFFFFFFFF  }
.Ltmp37:
0x25a: {  	_ = 	snop;
	(pc) =	sbr.rel @p1 .LBB2_47-.Ltmp37, $1  }
0x25b: {  	_ =	sdelay $0x3  }
0x25c: {  	s0 =	sshll.u32 s3, $0x7  }
0x25d: {  	s0 =	sand.u32 $0x3FFFFF80, s0  }
0x25e: {  	v0 =	vld [tilespmem:s0+$0xF238];
	_ =	sdelay $0x2  }
0x25f: {  	s4 =	sshll.u32 s6, $0x9  }
0x260: {  	s4 =	sshra.s32 s4, $0x2  }
0x261: {  	[tilespmem:s4+$0xF238] =	vst.add.f32.msk $0xffff, v0  }
0x262: {  	v0 =	vld [tilespmem:s0+$0xF248];
	_ =	sdelay $0x4  }
0x263: {  	[tilespmem:s4+$0xF248] =	vst.add.f32.msk $0xffff, v0  }
0x264: {  	v0 =	vld [tilespmem:s0+$0xF258];
	_ =	sdelay $0x4  }
0x265: {  	[tilespmem:s4+$0xF258] =	vst.add.f32.msk $0xffff, v0  }
0x266: {  	v0 =	vld [tilespmem:s0+$0xF268];
	_ =	sdelay $0x4  }
0x267: {  	[tilespmem:s4+$0xF268] =	vst.add.f32.msk $0xffff, v0  }
0x268: {  	v0 =	vld [tilespmem:s0+$0xF278];
	_ =	sdelay $0x4  }
0x269: {  	[tilespmem:s4+$0xF278] =	vst.add.f32.msk $0xffff, v0  }
0x26a: {  	v0 =	vld [tilespmem:s0+$0xF288];
	_ =	sdelay $0x4  }
0x26b: {  	[tilespmem:s4+$0xF288] =	vst.add.f32.msk $0xffff, v0  }
0x26c: {  	v0 =	vld [tilespmem:s0+$0xF298];
	_ =	sdelay $0x4  }
0x26d: {  	[tilespmem:s4+$0xF298] =	vst.add.f32.msk $0xffff, v0  }
0x26e: {  	v0 =	vld [tilespmem:s0+$0xF2A8]  }
.Ltmp38:
0x26f: {  	_ = 	snop;
	(pc) =	sbr.rel .LBB2_48-.Ltmp38, $2  }
0x270: {  	_ =	sdelay $0x2  }
0x271: {  	[tilespmem:s4+$0xF2A8] =	vst.add.f32.msk $0xffff, v0  }
.LBB2_49:
0x272: {  	p1 =	slt.s32 s2, $0x1  }
.Ltmp39:
0x273: {  	_ = 	snop;
	(pc) =	sbr.rel @p1 .LBB2_53-.Ltmp39, $3  }
0x274: {  	_ =	sdelay $0x1  }
0x275: {  	s0 =	simm.s32 $0x8  }
0x276: {  	s3 =	simm.s32 $0x0;
	[sflag:s0] =	ssyncpa.u1 $0x1  }
0x277: {  	s0 =	simm.s32 $0xF218  }
0x278: {  	v0 =	vld.msk [tilespmem:s0+$0x0], $0x1;
	_ =	sdelay $0x4  }
0x279: {  	(v2sf) =	vpush v0, $0x0;
	_ =	sdelay $0xe  }
0x27a: {  	s0 =	sadd.s32 $0xFFFFFFFF, s2;
	s5 =	spop (v2sf)  }
0x27b: {  	p2 =	sne.s32 s0, $0x0;
	p1 =	sgt.u32 s5, $0x270F0  }
.Ltmp40:
0x27c: {  	s6 =	sand.u32 @!p1 $0x3FFF8, s5;
	(pc) =	sbr.rel @!p2 .LBB2_52-.Ltmp40, $4  }
0x27d: {  	s4 =	simm.s32 $0xF238;
	s5 =	sand.u32 @!p1 $0x7, s5;
	s2 =	sadd.s32 @!p1 s1, s6  }
0x27e: {  	[hbm4b:s2+s5] =	stream.linear.scatter @!p1 [tilespmem:s4], [sflag:$0x7], $0x80, $0x38;
	[tilespmem:$0x1F6F8] =	vst v63  }
0x27f: {  	s5 =	simm.s32 $0x0  }
0x280: {  	s2 =	simm.s32 $0xF219;
	s5 =	simm.s32 @!p1 $0x200  }
.LBB2_51:
0x281: {  	v0 =	vld.msk [tilespmem:s2+$0x0], $0x1;
	s0 =	sadd.s32 $0xFFFFFFFF, s0;
	s3 =	sadd.s32 s3, s5  }
0x282: {  	p1 =	sne.s32 s0, $0x0;
	_ =	sdelay $0x3  }
0x283: {  	(v2sf) =	vpush v0, $0x0;
	_ =	sdelay $0xe  }
.Ltmp41:
0x284: {  	s6 =	spop (v2sf);
	(pc) =	sbr.rel @p1 .LBB2_51-.Ltmp41, $4  }
0x285: {  	s5 =	simm.s32 $0x0;
	p2 =	sgt.u32 s6, $0x270F0  }
0x286: {  	s4 =	sadd.s32 $0x80, s4;
	s5 =	simm.s32 @!p2 $0x200;
	s7 =	sand.u32 @!p2 $0x3FFF8, s6  }
0x287: {  	s2 =	sadd.s32 $0x1, s2;
	s6 =	sand.u32 @!p2 $0x7, s6;
	s7 =	sadd.s32 @!p2 s1, s7  }
0x288: {  	[hbm4b:s7+s6] =	stream.linear.scatter @!p2 [tilespmem:s4], [sflag:$0x7], $0x80, $0x38;
	[tilespmem:$0x1F6F8] =	vst v63  }
.LBB2_52:
0x289: {  	s0 =	sadd.s32 s3, s5  }
0x28a: {  	s3 =	sshrl.u32 s0, $0x2  }
.LBB2_53:
0x28b: {  	s0 =	simm.s32 $0x7  }
0x28c: {  	_ =	swait.ge [sflag:s0], s3  }
0x28d: {  	s1 =	ssub.s32 $0x0, s3;
	[sflag:s0] =	ssyncset.done $0x0  }
0x28e: {  	[sflag:s0] =	ssyncadd.s32 s1  }
0x28f: {  	[sflag:s0] =	ssyncpa.u1 $0x1  }
.LBB2_54:
0x290: {  	_ =	sfence;
	s0 =	simm.s32 $0x1  }
0x291: {  	[sflag:s0] =	ssyncpa.u1 $0x1  }
0x292: {  	_ =	strace $0x9000004D  }
0x293: {  	[bflag:$0x2] =	sbarrier.arrive $0xFFFF  }
0x294: {  	s0 =	rddreg [dreg:$0x5]  }
0x295: {  	s0 =	sadd.s32 @!p0 $0x100000, s0  }
0x296: {  	[sflag:s0] =	ssyncadd.tile.s32 @!p0 $0x1;
	_ =	shalt  }
.Lfunc_end2:
_tile_overlayer_lowered:
.L_overlay_start_2:
0x297: {  	(tag) =	ssettag $0x2  }
0x298: {  	s0 =	rddreg [dreg:$0x0];
	s2 =	stileid.u32  }
0x299: {  	s1 =	rddreg [dreg:$0x1];
	p0 =	sne.s32 s2, $0x0  }
0x29a: {  	s3 =	rddreg [dreg:$0x2];
	[bflag:$0x3] =	sbarrier.arrive $0xFFFF;
	s2 =	simm.s32 @!p0 $0x1C01  }
0x29b: {  	[timem:s3], [sflag:s2] =	dma.local @!p0 [hbm:s0], s1  }
0x29c: {  	s0 =	simm.s32 @!p0 $0x1  }
0x29d: {  	_ =	swait.ge @!p0 [sflag:s0], s1  }
0x29e: {  	s1 =	ssub.s32 @!p0 $0x0, s1;
	[sflag:s0] =	ssyncset.done @!p0 $0x0  }
0x29f: {  	[sflag:s0] =	ssyncadd.s32 @!p0 s1  }
0x2a0: {  	[bflag:$0x3] =	sbarrier.arrive $0xFFFF  }
0x2a1: {  	_ =	shalt  }

</sc_bundles>
